<compile_context>
chip_gen: v7x
topology: tpu7x:2x2x1
jax: 0.10.2.dev20260603
libtpu: 0.0.44.dev20260713+nightly
codegen_flags: <defaults>
</compile_context>

<pallas_src>
import functools

import jax
import jax.numpy as jnp
from jax import lax
from jax.experimental import pallas as pl
from jax.experimental.pallas import tpu as pltpu
from jax.experimental.pallas import tpu_sc as plsc

ROWS = 16384
COLS = 200
NW = 32
ROWS_W = ROWS // NW
CHUNK_R = 128
NCHUNK = ROWS_W // CHUNK_R
LANES = 16
ROWS_PER_IT = 2


def _sc_kernel(x_hbm, t_hbm, out_hbm, xb0, xb1, tbuf, pairbuf, accbuf,
               sem0, sem1):
    wid = lax.axis_index("s") * 2 + lax.axis_index("c")
    base = wid * ROWS_W

    lane = lax.iota(jnp.int32, 16)
    head8 = lane < 8

    pltpu.sync_copy(t_hbm, tbuf)
    valid = lane < 10
    row_ids = jnp.where(valid, lane, 0)
    rowsum = jnp.zeros((LANES,), jnp.float32)
    for c in range(3):
        col_ids = jnp.full((LANES,), c, jnp.int32)
        rowsum = rowsum + plsc.load_gather(tbuf, [row_ids, col_ids])
    rowsum = jnp.where(valid, rowsum, 0.0)
    accbuf[...] = rowsum
    lookup = accbuf

    for b in range(11):
        pairbuf[pl.ds(11 * b, LANES)] = rowsum + rowsum[b]

    bufs = (xb0, xb1)
    sems = (sem0, sem1)

    def chunk_body(xb):
        def body(i, accs):
            accs = list(accs)
            for rr in range(ROWS_PER_IT):
                r = i * ROWS_PER_IT + rr
                for k in range(6):
                    i0 = xb[r, pl.ds(k * 32, LANES)]
                    i1 = xb[r, pl.ds(k * 32 + 16, LANES)]
                    comb = i0 + i1 * 11
                    g = plsc.load_gather(pairbuf, [comb])
                    accs[k % 4] = accs[k % 4] + g
                tail = xb[r, pl.ds(184, LANES)]
                tail = jnp.where(head8, 10, tail)
                g = plsc.load_gather(lookup, [tail])
                accs[rr] = accs[rr] + g
            return tuple(accs)
        return body

    zero = jnp.zeros((LANES,), jnp.float32)
    accs = (zero, zero, zero, zero)

    copies = [None] * NCHUNK
    copies[0] = pltpu.async_copy(
        x_hbm.at[pl.ds(base, CHUNK_R)], bufs[0], sems[0])
    for c in range(NCHUNK):
        copies[c].wait()
        if c + 1 < NCHUNK:
            copies[c + 1] = pltpu.async_copy(
                x_hbm.at[pl.ds(base + (c + 1) * CHUNK_R, CHUNK_R)],
                bufs[(c + 1) % 2], sems[(c + 1) % 2])
        accs = lax.fori_loop(0, CHUNK_R // ROWS_PER_IT,
                             chunk_body(bufs[c % 2]), accs)

    accbuf[...] = (accs[0] + accs[1]) + (accs[2] + accs[3])
    pltpu.sync_copy(accbuf, out_hbm.at[wid])


@jax.jit
def kernel(x, table):
    k = functools.partial(
        pl.kernel,
        mesh=plsc.VectorSubcoreMesh(core_axis_name="c", subcore_axis_name="s"),
        out_type=jax.ShapeDtypeStruct((NW, LANES), jnp.float32),
        compiler_params=pltpu.CompilerParams(needs_layout_passes=False),
        scratch_types=[
            pltpu.VMEM((CHUNK_R, COLS), jnp.int32),
            pltpu.VMEM((CHUNK_R, COLS), jnp.int32),
            pltpu.VMEM((10, 3), jnp.float32),
            pltpu.VMEM((11 * 11 + 5, ), jnp.float32),
            pltpu.VMEM((LANES,), jnp.float32),
            pltpu.SemaphoreType.DMA,
            pltpu.SemaphoreType.DMA,
        ],
    )(_sc_kernel)
    partials = k(x, table)
    return partials.sum()

# --- scband reference (transcript-rebuilt; emitter-appended) ---
"""Pipeline reference for scband-my-model-61933428413400 (READ-ONLY COPY).

The authoritative reference and input builder live on the scoring server;
editing this copy changes nothing except your own understanding.
"""

import jax, jax.numpy as jnp
import numpy as np

def setup_inputs(seed: int = 0) -> dict:
    key = jax.random.key(seed)
    k1, k2 = jax.random.split(key)
    x = jax.random.randint(k1, (16384, 200), 0, 10)
    table = jax.random.normal(k2, (10, 3), dtype=jnp.float32)
    return {"x": x, "table": table}

def reference(x, table):
    # nn.Embedding lookup followed by global sum
    emb = jnp.take(table, x, axis=0)  # [16384, 200, 3]
    return emb.sum()

if __name__ == "__main__":
    import jax
    _d = setup_inputs()
    print(jax.jit(kernel)(*tuple(_d.values())))

</pallas_src>

<mosaic_0001>
#map = affine_map<(d0, d1) -> (0, 0)>
module attributes {stable_mosaic.version = 14 : i64} {
  func.func @_sc_kernel(%arg0: i32, %arg1: i32, %arg2: memref<16384x200xi32, #tpu.memory_space<hbm>>, %arg3: memref<10x3xf32, #tpu.memory_space<hbm>>, %arg4: memref<32x16xf32, #tpu.memory_space<hbm>>, %arg5: memref<128x200xi32, #tpu.memory_space<vmem>>, %arg6: memref<128x200xi32, #tpu.memory_space<vmem>>, %arg7: memref<10x3xf32, #tpu.memory_space<vmem>>, %arg8: memref<126xf32, #tpu.memory_space<vmem>>, %arg9: memref<16xf32, #tpu.memory_space<vmem>>, %arg10: memref<!tpu.dma_semaphore, #tpu.memory_space<semaphore_mem>>, %arg11: memref<!tpu.dma_semaphore, #tpu.memory_space<semaphore_mem>>) attributes {dimension_semantics = [#tpu.dimension_semantics<core_parallel>, #tpu.dimension_semantics<subcore_parallel>], iteration_bounds = array<i64: 2, 16>, scalar_prefetch = 0 : i64, scratch_operands = 7 : i64, tpu.core_type = #tpu.core_type<sc_vector_subcore>, window_params = [{transform_indices = #map}, {transform_indices = #map}, {transform_indices = #map}]} {
    %mul3A = arith.constant 2 : i32
    %mul3A_0 = arith.muli %arg1, %mul3A : i32
    %add3A = arith.addi %mul3A_0, %arg0 : i32
    %mul3A_1 = arith.constant 512 : i32
    %mul3A_2 = arith.muli %add3A, %mul3A_1 : i32
    %iota3A = tpu.iota {dimensions = array<i32: 0>} : vector<16xi32>
    %lt3A = arith.constant 8 : i32
    %lt3A_3 = vector.broadcast %lt3A : i32 to vector<16xi32>
    %lt3A_4 = arith.cmpi slt, %iota3A, %lt3A_3 : vector<16xi32>
    "tpu.region"() ({
      %run_scoped3A = tpu.sem_alloc : memref<!tpu.dma_semaphore, #tpu.memory_space<semaphore_mem>>
      tpu.enqueue_dma source(%arg3 : memref<10x3xf32, #tpu.memory_space<hbm>>) target(%arg7 : memref<10x3xf32, #tpu.memory_space<vmem>>) target_semaphore(%run_scoped3A : memref<!tpu.dma_semaphore, #tpu.memory_space<semaphore_mem>>)
      tpu.wait_dma2 semaphore(%run_scoped3A : memref<!tpu.dma_semaphore, #tpu.memory_space<semaphore_mem>>) src(%arg3 : memref<10x3xf32, #tpu.memory_space<hbm>>) dst(%arg7 : memref<10x3xf32, #tpu.memory_space<vmem>>)
      tpu.yield
    }) : () -> ()
    %lt3A_5 = arith.constant 10 : i32
    %lt3A_6 = vector.broadcast %lt3A_5 : i32 to vector<16xi32>
    %lt3A_7 = arith.cmpi slt, %iota3A, %lt3A_6 : vector<16xi32>
    %jit3A = arith.constant 0 : i32
    %broadcast_in_dim3A = vector.broadcast %jit3A : i32 to vector<16xi32>
    %select_n3A = arith.select %lt3A_7, %iota3A, %broadcast_in_dim3A : vector<16xi1>, vector<16xi32>
    %broadcast_in_dim3A_8 = arith.constant 0.000000e+00 : f32
    %broadcast_in_dim3A_9 = vector.broadcast %broadcast_in_dim3A_8 : f32 to vector<16xf32>
    %broadcast_in_dim3A_10 = arith.constant 0 : i32
    %broadcast_in_dim3A_11 = vector.broadcast %broadcast_in_dim3A_10 : i32 to vector<16xi32>
    %gather3A = tpu.vector_load_idx %arg7[%select_n3A, %broadcast_in_dim3A_11] : memref<10x3xf32, #tpu.memory_space<vmem>>[vector<16xi32>, vector<16xi32>], vector<16xf32>,
    %add3A_12 = arith.addf %broadcast_in_dim3A_9, %gather3A : vector<16xf32>
    %broadcast_in_dim3A_13 = arith.constant 1 : i32
    %broadcast_in_dim3A_14 = vector.broadcast %broadcast_in_dim3A_13 : i32 to vector<16xi32>
    %gather3A_15 = tpu.vector_load_idx %arg7[%select_n3A, %broadcast_in_dim3A_14] : memref<10x3xf32, #tpu.memory_space<vmem>>[vector<16xi32>, vector<16xi32>], vector<16xf32>,
    %add3A_16 = arith.addf %add3A_12, %gather3A_15 : vector<16xf32>
    %broadcast_in_dim3A_17 = arith.constant 2 : i32
    %broadcast_in_dim3A_18 = vector.broadcast %broadcast_in_dim3A_17 : i32 to vector<16xi32>
    %gather3A_19 = tpu.vector_load_idx %arg7[%select_n3A, %broadcast_in_dim3A_18] : memref<10x3xf32, #tpu.memory_space<vmem>>[vector<16xi32>, vector<16xi32>], vector<16xf32>,
    %add3A_20 = arith.addf %add3A_16, %gather3A_19 : vector<16xf32>
    %jit3A_21 = arith.constant 0.000000e+00 : f32
    %broadcast_in_dim3A_22 = vector.broadcast %jit3A_21 : f32 to vector<16xf32>
    %select_n3A_23 = arith.select %lt3A_7, %add3A_20, %broadcast_in_dim3A_22 : vector<16xi1>, vector<16xf32>
    %swap3A = arith.constant 0 : index
    %swap3A_24 = tpu.vector_load %arg9[%swap3A] {strides = array<i32>} : memref<16xf32, #tpu.memory_space<vmem>>, vector<16xf32>,
    tpu.vector_store %arg9[%swap3A], %select_n3A_23 {strides = array<i32>} : memref<16xf32, #tpu.memory_space<vmem>>, vector<16xf32>,
    %slice3A = vector.extract_strided_slice %select_n3A_23 {offsets = [0], sizes = [1], strides = [1]} : vector<16xf32> to vector<1xf32>
    %squeeze3A = vector.extract %slice3A[0] : f32 from vector<1xf32>
    %add3A_25 = vector.broadcast %squeeze3A : f32 to vector<16xf32>
    %add3A_26 = arith.addf %select_n3A_23, %add3A_25 : vector<16xf32>
    %swap3A_27 = arith.constant 0 : index
    %swap3A_28 = tpu.vector_load %arg8[%swap3A_27] {strides = array<i32>} : memref<126xf32, #tpu.memory_space<vmem>>, vector<16xf32>,
    tpu.vector_store %arg8[%swap3A_27], %add3A_26 {strides = array<i32>} : memref<126xf32, #tpu.memory_space<vmem>>, vector<16xf32>,
    %slice3A_29 = vector.extract_strided_slice %select_n3A_23 {offsets = [1], sizes = [1], strides = [1]} : vector<16xf32> to vector<1xf32>
    %squeeze3A_30 = vector.extract %slice3A_29[0] : f32 from vector<1xf32>
    %add3A_31 = vector.broadcast %squeeze3A_30 : f32 to vector<16xf32>
    %add3A_32 = arith.addf %select_n3A_23, %add3A_31 : vector<16xf32>
    %swap3A_33 = arith.constant 11 : index
    %swap3A_34 = tpu.vector_load %arg8[%swap3A_33] {strides = array<i32>} : memref<126xf32, #tpu.memory_space<vmem>>, vector<16xf32>,
    tpu.vector_store %arg8[%swap3A_33], %add3A_32 {strides = array<i32>} : memref<126xf32, #tpu.memory_space<vmem>>, vector<16xf32>,
    %slice3A_35 = vector.extract_strided_slice %select_n3A_23 {offsets = [2], sizes = [1], strides = [1]} : vector<16xf32> to vector<1xf32>
    %squeeze3A_36 = vector.extract %slice3A_35[0] : f32 from vector<1xf32>
    %add3A_37 = vector.broadcast %squeeze3A_36 : f32 to vector<16xf32>
    %add3A_38 = arith.addf %select_n3A_23, %add3A_37 : vector<16xf32>
    %swap3A_39 = arith.constant 22 : index
    %swap3A_40 = tpu.vector_load %arg8[%swap3A_39] {strides = array<i32>} : memref<126xf32, #tpu.memory_space<vmem>>, vector<16xf32>,
    tpu.vector_store %arg8[%swap3A_39], %add3A_38 {strides = array<i32>} : memref<126xf32, #tpu.memory_space<vmem>>, vector<16xf32>,
    %slice3A_41 = vector.extract_strided_slice %select_n3A_23 {offsets = [3], sizes = [1], strides = [1]} : vector<16xf32> to vector<1xf32>
    %squeeze3A_42 = vector.extract %slice3A_41[0] : f32 from vector<1xf32>
    %add3A_43 = vector.broadcast %squeeze3A_42 : f32 to vector<16xf32>
    %add3A_44 = arith.addf %select_n3A_23, %add3A_43 : vector<16xf32>
    %swap3A_45 = arith.constant 33 : index
    %swap3A_46 = tpu.vector_load %arg8[%swap3A_45] {strides = array<i32>} : memref<126xf32, #tpu.memory_space<vmem>>, vector<16xf32>,
    tpu.vector_store %arg8[%swap3A_45], %add3A_44 {strides = array<i32>} : memref<126xf32, #tpu.memory_space<vmem>>, vector<16xf32>,
    %slice3A_47 = vector.extract_strided_slice %select_n3A_23 {offsets = [4], sizes = [1], strides = [1]} : vector<16xf32> to vector<1xf32>
    %squeeze3A_48 = vector.extract %slice3A_47[0] : f32 from vector<1xf32>
    %add3A_49 = vector.broadcast %squeeze3A_48 : f32 to vector<16xf32>
    %add3A_50 = arith.addf %select_n3A_23, %add3A_49 : vector<16xf32>
    %swap3A_51 = arith.constant 44 : index
    %swap3A_52 = tpu.vector_load %arg8[%swap3A_51] {strides = array<i32>} : memref<126xf32, #tpu.memory_space<vmem>>, vector<16xf32>,
    tpu.vector_store %arg8[%swap3A_51], %add3A_50 {strides = array<i32>} : memref<126xf32, #tpu.memory_space<vmem>>, vector<16xf32>,
    %slice3A_53 = vector.extract_strided_slice %select_n3A_23 {offsets = [5], sizes = [1], strides = [1]} : vector<16xf32> to vector<1xf32>
    %squeeze3A_54 = vector.extract %slice3A_53[0] : f32 from vector<1xf32>
    %add3A_55 = vector.broadcast %squeeze3A_54 : f32 to vector<16xf32>
    %add3A_56 = arith.addf %select_n3A_23, %add3A_55 : vector<16xf32>
    %swap3A_57 = arith.constant 55 : index
    %swap3A_58 = tpu.vector_load %arg8[%swap3A_57] {strides = array<i32>} : memref<126xf32, #tpu.memory_space<vmem>>, vector<16xf32>,
    tpu.vector_store %arg8[%swap3A_57], %add3A_56 {strides = array<i32>} : memref<126xf32, #tpu.memory_space<vmem>>, vector<16xf32>,
    %slice3A_59 = vector.extract_strided_slice %select_n3A_23 {offsets = [6], sizes = [1], strides = [1]} : vector<16xf32> to vector<1xf32>
    %squeeze3A_60 = vector.extract %slice3A_59[0] : f32 from vector<1xf32>
    %add3A_61 = vector.broadcast %squeeze3A_60 : f32 to vector<16xf32>
    %add3A_62 = arith.addf %select_n3A_23, %add3A_61 : vector<16xf32>
    %swap3A_63 = arith.constant 66 : index
    %swap3A_64 = tpu.vector_load %arg8[%swap3A_63] {strides = array<i32>} : memref<126xf32, #tpu.memory_space<vmem>>, vector<16xf32>,
    tpu.vector_store %arg8[%swap3A_63], %add3A_62 {strides = array<i32>} : memref<126xf32, #tpu.memory_space<vmem>>, vector<16xf32>,
    %slice3A_65 = vector.extract_strided_slice %select_n3A_23 {offsets = [7], sizes = [1], strides = [1]} : vector<16xf32> to vector<1xf32>
    %squeeze3A_66 = vector.extract %slice3A_65[0] : f32 from vector<1xf32>
    %add3A_67 = vector.broadcast %squeeze3A_66 : f32 to vector<16xf32>
    %add3A_68 = arith.addf %select_n3A_23, %add3A_67 : vector<16xf32>
    %swap3A_69 = arith.constant 77 : index
    %swap3A_70 = tpu.vector_load %arg8[%swap3A_69] {strides = array<i32>} : memref<126xf32, #tpu.memory_space<vmem>>, vector<16xf32>,
    tpu.vector_store %arg8[%swap3A_69], %add3A_68 {strides = array<i32>} : memref<126xf32, #tpu.memory_space<vmem>>, vector<16xf32>,
    %slice3A_71 = vector.extract_strided_slice %select_n3A_23 {offsets = [8], sizes = [1], strides = [1]} : vector<16xf32> to vector<1xf32>
    %squeeze3A_72 = vector.extract %slice3A_71[0] : f32 from vector<1xf32>
    %add3A_73 = vector.broadcast %squeeze3A_72 : f32 to vector<16xf32>
    %add3A_74 = arith.addf %select_n3A_23, %add3A_73 : vector<16xf32>
    %swap3A_75 = arith.constant 88 : index
    %swap3A_76 = tpu.vector_load %arg8[%swap3A_75] {strides = array<i32>} : memref<126xf32, #tpu.memory_space<vmem>>, vector<16xf32>,
    tpu.vector_store %arg8[%swap3A_75], %add3A_74 {strides = array<i32>} : memref<126xf32, #tpu.memory_space<vmem>>, vector<16xf32>,
    %slice3A_77 = vector.extract_strided_slice %select_n3A_23 {offsets = [9], sizes = [1], strides = [1]} : vector<16xf32> to vector<1xf32>
    %squeeze3A_78 = vector.extract %slice3A_77[0] : f32 from vector<1xf32>
    %add3A_79 = vector.broadcast %squeeze3A_78 : f32 to vector<16xf32>
    %add3A_80 = arith.addf %select_n3A_23, %add3A_79 : vector<16xf32>
    %swap3A_81 = arith.constant 99 : index
    %swap3A_82 = tpu.vector_load %arg8[%swap3A_81] {strides = array<i32>} : memref<126xf32, #tpu.memory_space<vmem>>, vector<16xf32>,
    tpu.vector_store %arg8[%swap3A_81], %add3A_80 {strides = array<i32>} : memref<126xf32, #tpu.memory_space<vmem>>, vector<16xf32>,
    %slice3A_83 = vector.extract_strided_slice %select_n3A_23 {offsets = [10], sizes = [1], strides = [1]} : vector<16xf32> to vector<1xf32>
    %squeeze3A_84 = vector.extract %slice3A_83[0] : f32 from vector<1xf32>
    %add3A_85 = vector.broadcast %squeeze3A_84 : f32 to vector<16xf32>
    %add3A_86 = arith.addf %select_n3A_23, %add3A_85 : vector<16xf32>
    %swap3A_87 = arith.constant 110 : index
    %swap3A_88 = tpu.vector_load %arg8[%swap3A_87] {strides = array<i32>} : memref<126xf32, #tpu.memory_space<vmem>>, vector<16xf32>,
    tpu.vector_store %arg8[%swap3A_87], %add3A_86 {strides = array<i32>} : memref<126xf32, #tpu.memory_space<vmem>>, vector<16xf32>,
    %broadcast_in_dim3A_89 = arith.constant 0.000000e+00 : f32
    %broadcast_in_dim3A_90 = vector.broadcast %broadcast_in_dim3A_89 : f32 to vector<16xf32>
    %dma_start3A = arith.constant 0 : i32
    %dma_start3A_91 = tpu.memref_slice %arg2[%mul3A_2, %dma_start3A] : memref<16384x200xi32, #tpu.memory_space<hbm>> -> memref<128x200xi32, #tpu.memory_space<hbm>>
    %dma_start3A_92 = arith.constant 0 : i32
    %dma_start3A_93 = tpu.memref_slice %arg2[%mul3A_2, %dma_start3A_92] : memref<16384x200xi32, #tpu.memory_space<hbm>> -> memref<128x200xi32, #tpu.memory_space<hbm>>
    tpu.enqueue_dma source(%dma_start3A_93 : memref<128x200xi32, #tpu.memory_space<hbm>>) target(%arg5 : memref<128x200xi32, #tpu.memory_space<vmem>>) target_semaphore(%arg10 : memref<!tpu.dma_semaphore, #tpu.memory_space<semaphore_mem>>)
    %dma_wait3A = arith.constant 0 : i32
    %dma_wait3A_94 = tpu.memref_slice %arg2[%mul3A_2, %dma_wait3A] : memref<16384x200xi32, #tpu.memory_space<hbm>> -> memref<128x200xi32, #tpu.memory_space<hbm>>
    %dma_wait3A_95 = arith.constant 0 : i32
    %dma_wait3A_96 = tpu.memref_slice %arg2[%mul3A_2, %dma_wait3A_95] : memref<16384x200xi32, #tpu.memory_space<hbm>> -> memref<128x200xi32, #tpu.memory_space<hbm>>
    tpu.wait_dma2 semaphore(%arg10 : memref<!tpu.dma_semaphore, #tpu.memory_space<semaphore_mem>>) src(%dma_wait3A_96 : memref<128x200xi32, #tpu.memory_space<hbm>>) dst(%arg5 : memref<128x200xi32, #tpu.memory_space<vmem>>)
    %add3A_97 = arith.constant 128 : i32
    %add3A_98 = arith.addi %mul3A_2, %add3A_97 : i32
    %dma_start3A_99 = arith.constant 0 : i32
    %dma_start3A_100 = tpu.memref_slice %arg2[%add3A_98, %dma_start3A_99] : memref<16384x200xi32, #tpu.memory_space<hbm>> -> memref<128x200xi32, #tpu.memory_space<hbm>>
    %dma_start3A_101 = arith.constant 0 : i32
    %dma_start3A_102 = tpu.memref_slice %arg2[%add3A_98, %dma_start3A_101] : memref<16384x200xi32, #tpu.memory_space<hbm>> -> memref<128x200xi32, #tpu.memory_space<hbm>>
    tpu.enqueue_dma source(%dma_start3A_102 : memref<128x200xi32, #tpu.memory_space<hbm>>) target(%arg6 : memref<128x200xi32, #tpu.memory_space<vmem>>) target_semaphore(%arg11 : memref<!tpu.dma_semaphore, #tpu.memory_space<semaphore_mem>>)
    %scan3A = arith.constant 0 : i32
    %scan3A_103 = arith.constant 64 : i32
    %scan3A_104 = arith.addi %scan3A, %scan3A_103 : i32
    %scan3A_105 = arith.constant 1 : i32
    %scan3A_106:4 = scf.for %scan3A_155 = %scan3A to %scan3A_104 step %scan3A_105 iter_args(%scan3A_156 = %broadcast_in_dim3A_90, %scan3A_157 = %broadcast_in_dim3A_90, %scan3A_158 = %broadcast_in_dim3A_90, %scan3A_159 = %broadcast_in_dim3A_90) -> (vector<16xf32>, vector<16xf32>, vector<16xf32>, vector<16xf32>)  : i32 {
      %mul3A_160 = arith.constant 2 : i32
      %mul3A_161 = arith.muli %scan3A_155, %mul3A_160 : i32
      %add3A_162 = arith.constant 0 : i32
      %add3A_163 = arith.addi %mul3A_161, %add3A_162 : i32
      %get3A = arith.index_cast %add3A_163 : i32 to index
      %get3A_164 = arith.constant 0 : index
      %get3A_165 = tpu.vector_load %arg5[%get3A, %get3A_164] {strides = array<i32>} : memref<128x200xi32, #tpu.memory_space<vmem>>, vector<16xi32>,
      %get3A_166 = arith.index_cast %add3A_163 : i32 to index
      %get3A_167 = arith.constant 16 : index
      %get3A_168 = tpu.vector_load %arg5[%get3A_166, %get3A_167] {strides = array<i32>} : memref<128x200xi32, #tpu.memory_space<vmem>>, vector<16xi32>,
      %mul3A_169 = arith.constant 11 : i32
      %mul3A_170 = vector.broadcast %mul3A_169 : i32 to vector<16xi32>
      %mul3A_171 = arith.muli %get3A_168, %mul3A_170 : vector<16xi32>
      %add3A_172 = arith.addi %get3A_165, %mul3A_171 : vector<16xi32>
      %gather3A_173 = tpu.vector_load_idx %arg8[%add3A_172] : memref<126xf32, #tpu.memory_space<vmem>>[vector<16xi32>], vector<16xf32>,
      %add3A_174 = arith.addf %scan3A_156, %gather3A_173 : vector<16xf32>
      %get3A_175 = arith.index_cast %add3A_163 : i32 to index
      %get3A_176 = arith.constant 32 : index
      %get3A_177 = tpu.vector_load %arg5[%get3A_175, %get3A_176] {strides = array<i32>} : memref<128x200xi32, #tpu.memory_space<vmem>>, vector<16xi32>,
      %get3A_178 = arith.index_cast %add3A_163 : i32 to index
      %get3A_179 = arith.constant 48 : index
      %get3A_180 = tpu.vector_load %arg5[%get3A_178, %get3A_179] {strides = array<i32>} : memref<128x200xi32, #tpu.memory_space<vmem>>, vector<16xi32>,
      %mul3A_181 = arith.constant 11 : i32
      %mul3A_182 = vector.broadcast %mul3A_181 : i32 to vector<16xi32>
      %mul3A_183 = arith.muli %get3A_180, %mul3A_182 : vector<16xi32>
      %add3A_184 = arith.addi %get3A_177, %mul3A_183 : vector<16xi32>
      %gather3A_185 = tpu.vector_load_idx %arg8[%add3A_184] : memref<126xf32, #tpu.memory_space<vmem>>[vector<16xi32>], vector<16xf32>,
      %add3A_186 = arith.addf %scan3A_157, %gather3A_185 : vector<16xf32>
      %get3A_187 = arith.index_cast %add3A_163 : i32 to index
      %get3A_188 = arith.constant 64 : index
      %get3A_189 = tpu.vector_load %arg5[%get3A_187, %get3A_188] {strides = array<i32>} : memref<128x200xi32, #tpu.memory_space<vmem>>, vector<16xi32>,
      %get3A_190 = arith.index_cast %add3A_163 : i32 to index
      %get3A_191 = arith.constant 80 : index
      %get3A_192 = tpu.vector_load %arg5[%get3A_190, %get3A_191] {strides = array<i32>} : memref<128x200xi32, #tpu.memory_space<vmem>>, vector<16xi32>,
      %mul3A_193 = arith.constant 11 : i32
      %mul3A_194 = vector.broadcast %mul3A_193 : i32 to vector<16xi32>
      %mul3A_195 = arith.muli %get3A_192, %mul3A_194 : vector<16xi32>
      %add3A_196 = arith.addi %get3A_189, %mul3A_195 : vector<16xi32>
      %gather3A_197 = tpu.vector_load_idx %arg8[%add3A_196] : memref<126xf32, #tpu.memory_space<vmem>>[vector<16xi32>], vector<16xf32>,
      %add3A_198 = arith.addf %scan3A_158, %gather3A_197 : vector<16xf32>
      %get3A_199 = arith.index_cast %add3A_163 : i32 to index
      %get3A_200 = arith.constant 96 : index
      %get3A_201 = tpu.vector_load %arg5[%get3A_199, %get3A_200] {strides = array<i32>} : memref<128x200xi32, #tpu.memory_space<vmem>>, vector<16xi32>,
      %get3A_202 = arith.index_cast %add3A_163 : i32 to index
      %get3A_203 = arith.constant 112 : index
      %get3A_204 = tpu.vector_load %arg5[%get3A_202, %get3A_203] {strides = array<i32>} : memref<128x200xi32, #tpu.memory_space<vmem>>, vector<16xi32>,
      %mul3A_205 = arith.constant 11 : i32
      %mul3A_206 = vector.broadcast %mul3A_205 : i32 to vector<16xi32>
      %mul3A_207 = arith.muli %get3A_204, %mul3A_206 : vector<16xi32>
      %add3A_208 = arith.addi %get3A_201, %mul3A_207 : vector<16xi32>
      %gather3A_209 = tpu.vector_load_idx %arg8[%add3A_208] : memref<126xf32, #tpu.memory_space<vmem>>[vector<16xi32>], vector<16xf32>,
      %add3A_210 = arith.addf %scan3A_159, %gather3A_209 : vector<16xf32>
      %get3A_211 = arith.index_cast %add3A_163 : i32 to index
      %get3A_212 = arith.constant 128 : index
      %get3A_213 = tpu.vector_load %arg5[%get3A_211, %get3A_212] {strides = array<i32>} : memref<128x200xi32, #tpu.memory_space<vmem>>, vector<16xi32>,
      %get3A_214 = arith.index_cast %add3A_163 : i32 to index
      %get3A_215 = arith.constant 144 : index
      %get3A_216 = tpu.vector_load %arg5[%get3A_214, %get3A_215] {strides = array<i32>} : memref<128x200xi32, #tpu.memory_space<vmem>>, vector<16xi32>,
      %mul3A_217 = arith.constant 11 : i32
      %mul3A_218 = vector.broadcast %mul3A_217 : i32 to vector<16xi32>
      %mul3A_219 = arith.muli %get3A_216, %mul3A_218 : vector<16xi32>
      %add3A_220 = arith.addi %get3A_213, %mul3A_219 : vector<16xi32>
      %gather3A_221 = tpu.vector_load_idx %arg8[%add3A_220] : memref<126xf32, #tpu.memory_space<vmem>>[vector<16xi32>], vector<16xf32>,
      %add3A_222 = arith.addf %add3A_174, %gather3A_221 : vector<16xf32>
      %get3A_223 = arith.index_cast %add3A_163 : i32 to index
      %get3A_224 = arith.constant 160 : index
      %get3A_225 = tpu.vector_load %arg5[%get3A_223, %get3A_224] {strides = array<i32>} : memref<128x200xi32, #tpu.memory_space<vmem>>, vector<16xi32>,
      %get3A_226 = arith.index_cast %add3A_163 : i32 to index
      %get3A_227 = arith.constant 176 : index
      %get3A_228 = tpu.vector_load %arg5[%get3A_226, %get3A_227] {strides = array<i32>} : memref<128x200xi32, #tpu.memory_space<vmem>>, vector<16xi32>,
      %mul3A_229 = arith.constant 11 : i32
      %mul3A_230 = vector.broadcast %mul3A_229 : i32 to vector<16xi32>
      %mul3A_231 = arith.muli %get3A_228, %mul3A_230 : vector<16xi32>
      %add3A_232 = arith.addi %get3A_225, %mul3A_231 : vector<16xi32>
      %gather3A_233 = tpu.vector_load_idx %arg8[%add3A_232] : memref<126xf32, #tpu.memory_space<vmem>>[vector<16xi32>], vector<16xf32>,
      %add3A_234 = arith.addf %add3A_186, %gather3A_233 : vector<16xf32>
      %get3A_235 = arith.index_cast %add3A_163 : i32 to index
      %get3A_236 = arith.constant 184 : index
      %get3A_237 = tpu.vector_load %arg5[%get3A_235, %get3A_236] {strides = array<i32>} : memref<128x200xi32, #tpu.memory_space<vmem>>, vector<16xi32>,
      %jit3A_238 = arith.constant 10 : i32
      %broadcast_in_dim3A_239 = vector.broadcast %jit3A_238 : i32 to vector<16xi32>
      %select_n3A_240 = arith.select %lt3A_4, %broadcast_in_dim3A_239, %get3A_237 : vector<16xi1>, vector<16xi32>
      %gather3A_241 = tpu.vector_load_idx %arg9[%select_n3A_240] : memref<16xf32, #tpu.memory_space<vmem>>[vector<16xi32>], vector<16xf32>,
      %add3A_242 = arith.addf %add3A_222, %gather3A_241 : vector<16xf32>
      %mul3A_243 = arith.constant 2 : i32
      %mul3A_244 = arith.muli %scan3A_155, %mul3A_243 : i32
      %add3A_245 = arith.constant 1 : i32
      %add3A_246 = arith.addi %mul3A_244, %add3A_245 : i32
      %get3A_247 = arith.index_cast %add3A_246 : i32 to index
      %get3A_248 = arith.constant 0 : index
      %get3A_249 = tpu.vector_load %arg5[%get3A_247, %get3A_248] {strides = array<i32>} : memref<128x200xi32, #tpu.memory_space<vmem>>, vector<16xi32>,
      %get3A_250 = arith.index_cast %add3A_246 : i32 to index
      %get3A_251 = arith.constant 16 : index
      %get3A_252 = tpu.vector_load %arg5[%get3A_250, %get3A_251] {strides = array<i32>} : memref<128x200xi32, #tpu.memory_space<vmem>>, vector<16xi32>,
      %mul3A_253 = arith.constant 11 : i32
      %mul3A_254 = vector.broadcast %mul3A_253 : i32 to vector<16xi32>
      %mul3A_255 = arith.muli %get3A_252, %mul3A_254 : vector<16xi32>
      %add3A_256 = arith.addi %get3A_249, %mul3A_255 : vector<16xi32>
      %gather3A_257 = tpu.vector_load_idx %arg8[%add3A_256] : memref<126xf32, #tpu.memory_space<vmem>>[vector<16xi32>], vector<16xf32>,
      %add3A_258 = arith.addf %add3A_242, %gather3A_257 : vector<16xf32>
      %get3A_259 = arith.index_cast %add3A_246 : i32 to index
      %get3A_260 = arith.constant 32 : index
      %get3A_261 = tpu.vector_load %arg5[%get3A_259, %get3A_260] {strides = array<i32>} : memref<128x200xi32, #tpu.memory_space<vmem>>, vector<16xi32>,
      %get3A_262 = arith.index_cast %add3A_246 : i32 to index
      %get3A_263 = arith.constant 48 : index
      %get3A_264 = tpu.vector_load %arg5[%get3A_262, %get3A_263] {strides = array<i32>} : memref<128x200xi32, #tpu.memory_space<vmem>>, vector<16xi32>,
      %mul3A_265 = arith.constant 11 : i32
      %mul3A_266 = vector.broadcast %mul3A_265 : i32 to vector<16xi32>
      %mul3A_267 = arith.muli %get3A_264, %mul3A_266 : vector<16xi32>
      %add3A_268 = arith.addi %get3A_261, %mul3A_267 : vector<16xi32>
      %gather3A_269 = tpu.vector_load_idx %arg8[%add3A_268] : memref<126xf32, #tpu.memory_space<vmem>>[vector<16xi32>], vector<16xf32>,
      %add3A_270 = arith.addf %add3A_234, %gather3A_269 : vector<16xf32>
      %get3A_271 = arith.index_cast %add3A_246 : i32 to index
      %get3A_272 = arith.constant 64 : index
      %get3A_273 = tpu.vector_load %arg5[%get3A_271, %get3A_272] {strides = array<i32>} : memref<128x200xi32, #tpu.memory_space<vmem>>, vector<16xi32>,
      %get3A_274 = arith.index_cast %add3A_246 : i32 to index
      %get3A_275 = arith.constant 80 : index
      %get3A_276 = tpu.vector_load %arg5[%get3A_274, %get3A_275] {strides = array<i32>} : memref<128x200xi32, #tpu.memory_space<vmem>>, vector<16xi32>,
      %mul3A_277 = arith.constant 11 : i32
      %mul3A_278 = vector.broadcast %mul3A_277 : i32 to vector<16xi32>
      %mul3A_279 = arith.muli %get3A_276, %mul3A_278 : vector<16xi32>
      %add3A_280 = arith.addi %get3A_273, %mul3A_279 : vector<16xi32>
      %gather3A_281 = tpu.vector_load_idx %arg8[%add3A_280] : memref<126xf32, #tpu.memory_space<vmem>>[vector<16xi32>], vector<16xf32>,
      %add3A_282 = arith.addf %add3A_198, %gather3A_281 : vector<16xf32>
      %get3A_283 = arith.index_cast %add3A_246 : i32 to index
      %get3A_284 = arith.constant 96 : index
      %get3A_285 = tpu.vector_load %arg5[%get3A_283, %get3A_284] {strides = array<i32>} : memref<128x200xi32, #tpu.memory_space<vmem>>, vector<16xi32>,
      %get3A_286 = arith.index_cast %add3A_246 : i32 to index
      %get3A_287 = arith.constant 112 : index
      %get3A_288 = tpu.vector_load %arg5[%get3A_286, %get3A_287] {strides = array<i32>} : memref<128x200xi32, #tpu.memory_space<vmem>>, vector<16xi32>,
      %mul3A_289 = arith.constant 11 : i32
      %mul3A_290 = vector.broadcast %mul3A_289 : i32 to vector<16xi32>
      %mul3A_291 = arith.muli %get3A_288, %mul3A_290 : vector<16xi32>
      %add3A_292 = arith.addi %get3A_285, %mul3A_291 : vector<16xi32>
      %gather3A_293 = tpu.vector_load_idx %arg8[%add3A_292] : memref<126xf32, #tpu.memory_space<vmem>>[vector<16xi32>], vector<16xf32>,
      %add3A_294 = arith.addf %add3A_210, %gather3A_293 : vector<16xf32>
      %get3A_295 = arith.index_cast %add3A_246 : i32 to index
      %get3A_296 = arith.constant 128 : index
      %get3A_297 = tpu.vector_load %arg5[%get3A_295, %get3A_296] {strides = array<i32>} : memref<128x200xi32, #tpu.memory_space<vmem>>, vector<16xi32>,
      %get3A_298 = arith.index_cast %add3A_246 : i32 to index
      %get3A_299 = arith.constant 144 : index
      %get3A_300 = tpu.vector_load %arg5[%get3A_298, %get3A_299] {strides = array<i32>} : memref<128x200xi32, #tpu.memory_space<vmem>>, vector<16xi32>,
      %mul3A_301 = arith.constant 11 : i32
      %mul3A_302 = vector.broadcast %mul3A_301 : i32 to vector<16xi32>
      %mul3A_303 = arith.muli %get3A_300, %mul3A_302 : vector<16xi32>
      %add3A_304 = arith.addi %get3A_297, %mul3A_303 : vector<16xi32>
      %gather3A_305 = tpu.vector_load_idx %arg8[%add3A_304] : memref<126xf32, #tpu.memory_space<vmem>>[vector<16xi32>], vector<16xf32>,
      %add3A_306 = arith.addf %add3A_258, %gather3A_305 : vector<16xf32>
      %get3A_307 = arith.index_cast %add3A_246 : i32 to index
      %get3A_308 = arith.constant 160 : index
      %get3A_309 = tpu.vector_load %arg5[%get3A_307, %get3A_308] {strides = array<i32>} : memref<128x200xi32, #tpu.memory_space<vmem>>, vector<16xi32>,
      %get3A_310 = arith.index_cast %add3A_246 : i32 to index
      %get3A_311 = arith.constant 176 : index
      %get3A_312 = tpu.vector_load %arg5[%get3A_310, %get3A_311] {strides = array<i32>} : memref<128x200xi32, #tpu.memory_space<vmem>>, vector<16xi32>,
      %mul3A_313 = arith.constant 11 : i32
      %mul3A_314 = vector.broadcast %mul3A_313 : i32 to vector<16xi32>
      %mul3A_315 = arith.muli %get3A_312, %mul3A_314 : vector<16xi32>
      %add3A_316 = arith.addi %get3A_309, %mul3A_315 : vector<16xi32>
      %gather3A_317 = tpu.vector_load_idx %arg8[%add3A_316] : memref<126xf32, #tpu.memory_space<vmem>>[vector<16xi32>], vector<16xf32>,
      %add3A_318 = arith.addf %add3A_270, %gather3A_317 : vector<16xf32>
      %get3A_319 = arith.index_cast %add3A_246 : i32 to index
      %get3A_320 = arith.constant 184 : index
      %get3A_321 = tpu.vector_load %arg5[%get3A_319, %get3A_320] {strides = array<i32>} : memref<128x200xi32, #tpu.memory_space<vmem>>, vector<16xi32>,
      %jit3A_322 = arith.constant 10 : i32
      %broadcast_in_dim3A_323 = vector.broadcast %jit3A_322 : i32 to vector<16xi32>
      %select_n3A_324 = arith.select %lt3A_4, %broadcast_in_dim3A_323, %get3A_321 : vector<16xi1>, vector<16xi32>
      %gather3A_325 = tpu.vector_load_idx %arg9[%select_n3A_324] : memref<16xf32, #tpu.memory_space<vmem>>[vector<16xi32>], vector<16xf32>,
      %add3A_326 = arith.addf %add3A_318, %gather3A_325 : vector<16xf32>
      scf.yield %add3A_306, %add3A_326, %add3A_282, %add3A_294 : vector<16xf32>, vector<16xf32>, vector<16xf32>, vector<16xf32>
    }
    %scan3A_107 = arith.constant 64 : i32
    %dma_wait3A_108 = arith.constant 0 : i32
    %dma_wait3A_109 = tpu.memref_slice %arg2[%add3A_98, %dma_wait3A_108] : memref<16384x200xi32, #tpu.memory_space<hbm>> -> memref<128x200xi32, #tpu.memory_space<hbm>>
    %dma_wait3A_110 = arith.constant 0 : i32
    %dma_wait3A_111 = tpu.memref_slice %arg2[%add3A_98, %dma_wait3A_110] : memref<16384x200xi32, #tpu.memory_space<hbm>> -> memref<128x200xi32, #tpu.memory_space<hbm>>
    tpu.wait_dma2 semaphore(%arg11 : memref<!tpu.dma_semaphore, #tpu.memory_space<semaphore_mem>>) src(%dma_wait3A_111 : memref<128x200xi32, #tpu.memory_space<hbm>>) dst(%arg6 : memref<128x200xi32, #tpu.memory_space<vmem>>)
    %add3A_112 = arith.constant 256 : i32
    %add3A_113 = arith.addi %mul3A_2, %add3A_112 : i32
    %dma_start3A_114 = arith.constant 0 : i32
    %dma_start3A_115 = tpu.memref_slice %arg2[%add3A_113, %dma_start3A_114] : memref<16384x200xi32, #tpu.memory_space<hbm>> -> memref<128x200xi32, #tpu.memory_space<hbm>>
    %dma_start3A_116 = arith.constant 0 : i32
    %dma_start3A_117 = tpu.memref_slice %arg2[%add3A_113, %dma_start3A_116] : memref<16384x200xi32, #tpu.memory_space<hbm>> -> memref<128x200xi32, #tpu.memory_space<hbm>>
    tpu.enqueue_dma source(%dma_start3A_117 : memref<128x200xi32, #tpu.memory_space<hbm>>) target(%arg5 : memref<128x200xi32, #tpu.memory_space<vmem>>) target_semaphore(%arg10 : memref<!tpu.dma_semaphore, #tpu.memory_space<semaphore_mem>>)
    %scan3A_118 = arith.constant 0 : i32
    %scan3A_119 = arith.constant 64 : i32
    %scan3A_120 = arith.addi %scan3A_118, %scan3A_119 : i32
    %scan3A_121 = arith.constant 1 : i32
    %scan3A_122:4 = scf.for %scan3A_155 = %scan3A_118 to %scan3A_120 step %scan3A_121 iter_args(%scan3A_156 = %scan3A_106#0, %scan3A_157 = %scan3A_106#1, %scan3A_158 = %scan3A_106#2, %scan3A_159 = %scan3A_106#3) -> (vector<16xf32>, vector<16xf32>, vector<16xf32>, vector<16xf32>)  : i32 {
      %mul3A_160 = arith.constant 2 : i32
      %mul3A_161 = arith.muli %scan3A_155, %mul3A_160 : i32
      %add3A_162 = arith.constant 0 : i32
      %add3A_163 = arith.addi %mul3A_161, %add3A_162 : i32
      %get3A = arith.index_cast %add3A_163 : i32 to index
      %get3A_164 = arith.constant 0 : index
      %get3A_165 = tpu.vector_load %arg6[%get3A, %get3A_164] {strides = array<i32>} : memref<128x200xi32, #tpu.memory_space<vmem>>, vector<16xi32>,
      %get3A_166 = arith.index_cast %add3A_163 : i32 to index
      %get3A_167 = arith.constant 16 : index
      %get3A_168 = tpu.vector_load %arg6[%get3A_166, %get3A_167] {strides = array<i32>} : memref<128x200xi32, #tpu.memory_space<vmem>>, vector<16xi32>,
      %mul3A_169 = arith.constant 11 : i32
      %mul3A_170 = vector.broadcast %mul3A_169 : i32 to vector<16xi32>
      %mul3A_171 = arith.muli %get3A_168, %mul3A_170 : vector<16xi32>
      %add3A_172 = arith.addi %get3A_165, %mul3A_171 : vector<16xi32>
      %gather3A_173 = tpu.vector_load_idx %arg8[%add3A_172] : memref<126xf32, #tpu.memory_space<vmem>>[vector<16xi32>], vector<16xf32>,
      %add3A_174 = arith.addf %scan3A_156, %gather3A_173 : vector<16xf32>
      %get3A_175 = arith.index_cast %add3A_163 : i32 to index
      %get3A_176 = arith.constant 32 : index
      %get3A_177 = tpu.vector_load %arg6[%get3A_175, %get3A_176] {strides = array<i32>} : memref<128x200xi32, #tpu.memory_space<vmem>>, vector<16xi32>,
      %get3A_178 = arith.index_cast %add3A_163 : i32 to index
      %get3A_179 = arith.constant 48 : index
      %get3A_180 = tpu.vector_load %arg6[%get3A_178, %get3A_179] {strides = array<i32>} : memref<128x200xi32, #tpu.memory_space<vmem>>, vector<16xi32>,
      %mul3A_181 = arith.constant 11 : i32
      %mul3A_182 = vector.broadcast %mul3A_181 : i32 to vector<16xi32>
      %mul3A_183 = arith.muli %get3A_180, %mul3A_182 : vector<16xi32>
      %add3A_184 = arith.addi %get3A_177, %mul3A_183 : vector<16xi32>
      %gather3A_185 = tpu.vector_load_idx %arg8[%add3A_184] : memref<126xf32, #tpu.memory_space<vmem>>[vector<16xi32>], vector<16xf32>,
      %add3A_186 = arith.addf %scan3A_157, %gather3A_185 : vector<16xf32>
      %get3A_187 = arith.index_cast %add3A_163 : i32 to index
      %get3A_188 = arith.constant 64 : index
      %get3A_189 = tpu.vector_load %arg6[%get3A_187, %get3A_188] {strides = array<i32>} : memref<128x200xi32, #tpu.memory_space<vmem>>, vector<16xi32>,
      %get3A_190 = arith.index_cast %add3A_163 : i32 to index
      %get3A_191 = arith.constant 80 : index
      %get3A_192 = tpu.vector_load %arg6[%get3A_190, %get3A_191] {strides = array<i32>} : memref<128x200xi32, #tpu.memory_space<vmem>>, vector<16xi32>,
      %mul3A_193 = arith.constant 11 : i32
      %mul3A_194 = vector.broadcast %mul3A_193 : i32 to vector<16xi32>
      %mul3A_195 = arith.muli %get3A_192, %mul3A_194 : vector<16xi32>
      %add3A_196 = arith.addi %get3A_189, %mul3A_195 : vector<16xi32>
      %gather3A_197 = tpu.vector_load_idx %arg8[%add3A_196] : memref<126xf32, #tpu.memory_space<vmem>>[vector<16xi32>], vector<16xf32>,
      %add3A_198 = arith.addf %scan3A_158, %gather3A_197 : vector<16xf32>
      %get3A_199 = arith.index_cast %add3A_163 : i32 to index
      %get3A_200 = arith.constant 96 : index
      %get3A_201 = tpu.vector_load %arg6[%get3A_199, %get3A_200] {strides = array<i32>} : memref<128x200xi32, #tpu.memory_space<vmem>>, vector<16xi32>,
      %get3A_202 = arith.index_cast %add3A_163 : i32 to index
      %get3A_203 = arith.constant 112 : index
      %get3A_204 = tpu.vector_load %arg6[%get3A_202, %get3A_203] {strides = array<i32>} : memref<128x200xi32, #tpu.memory_space<vmem>>, vector<16xi32>,
      %mul3A_205 = arith.constant 11 : i32
      %mul3A_206 = vector.broadcast %mul3A_205 : i32 to vector<16xi32>
      %mul3A_207 = arith.muli %get3A_204, %mul3A_206 : vector<16xi32>
      %add3A_208 = arith.addi %get3A_201, %mul3A_207 : vector<16xi32>
      %gather3A_209 = tpu.vector_load_idx %arg8[%add3A_208] : memref<126xf32, #tpu.memory_space<vmem>>[vector<16xi32>], vector<16xf32>,
      %add3A_210 = arith.addf %scan3A_159, %gather3A_209 : vector<16xf32>
      %get3A_211 = arith.index_cast %add3A_163 : i32 to index
      %get3A_212 = arith.constant 128 : index
      %get3A_213 = tpu.vector_load %arg6[%get3A_211, %get3A_212] {strides = array<i32>} : memref<128x200xi32, #tpu.memory_space<vmem>>, vector<16xi32>,
      %get3A_214 = arith.index_cast %add3A_163 : i32 to index
      %get3A_215 = arith.constant 144 : index
      %get3A_216 = tpu.vector_load %arg6[%get3A_214, %get3A_215] {strides = array<i32>} : memref<128x200xi32, #tpu.memory_space<vmem>>, vector<16xi32>,
      %mul3A_217 = arith.constant 11 : i32
      %mul3A_218 = vector.broadcast %mul3A_217 : i32 to vector<16xi32>
      %mul3A_219 = arith.muli %get3A_216, %mul3A_218 : vector<16xi32>
      %add3A_220 = arith.addi %get3A_213, %mul3A_219 : vector<16xi32>
      %gather3A_221 = tpu.vector_load_idx %arg8[%add3A_220] : memref<126xf32, #tpu.memory_space<vmem>>[vector<16xi32>], vector<16xf32>,
      %add3A_222 = arith.addf %add3A_174, %gather3A_221 : vector<16xf32>
      %get3A_223 = arith.index_cast %add3A_163 : i32 to index
      %get3A_224 = arith.constant 160 : index
      %get3A_225 = tpu.vector_load %arg6[%get3A_223, %get3A_224] {strides = array<i32>} : memref<128x200xi32, #tpu.memory_space<vmem>>, vector<16xi32>,
      %get3A_226 = arith.index_cast %add3A_163 : i32 to index
      %get3A_227 = arith.constant 176 : index
      %get3A_228 = tpu.vector_load %arg6[%get3A_226, %get3A_227] {strides = array<i32>} : memref<128x200xi32, #tpu.memory_space<vmem>>, vector<16xi32>,
      %mul3A_229 = arith.constant 11 : i32
      %mul3A_230 = vector.broadcast %mul3A_229 : i32 to vector<16xi32>
      %mul3A_231 = arith.muli %get3A_228, %mul3A_230 : vector<16xi32>
      %add3A_232 = arith.addi %get3A_225, %mul3A_231 : vector<16xi32>
      %gather3A_233 = tpu.vector_load_idx %arg8[%add3A_232] : memref<126xf32, #tpu.memory_space<vmem>>[vector<16xi32>], vector<16xf32>,
      %add3A_234 = arith.addf %add3A_186, %gather3A_233 : vector<16xf32>
      %get3A_235 = arith.index_cast %add3A_163 : i32 to index
      %get3A_236 = arith.constant 184 : index
      %get3A_237 = tpu.vector_load %arg6[%get3A_235, %get3A_236] {strides = array<i32>} : memref<128x200xi32, #tpu.memory_space<vmem>>, vector<16xi32>,
      %jit3A_238 = arith.constant 10 : i32
      %broadcast_in_dim3A_239 = vector.broadcast %jit3A_238 : i32 to vector<16xi32>
      %select_n3A_240 = arith.select %lt3A_4, %broadcast_in_dim3A_239, %get3A_237 : vector<16xi1>, vector<16xi32>
      %gather3A_241 = tpu.vector_load_idx %arg9[%select_n3A_240] : memref<16xf32, #tpu.memory_space<vmem>>[vector<16xi32>], vector<16xf32>,
      %add3A_242 = arith.addf %add3A_222, %gather3A_241 : vector<16xf32>
      %mul3A_243 = arith.constant 2 : i32
      %mul3A_244 = arith.muli %scan3A_155, %mul3A_243 : i32
      %add3A_245 = arith.constant 1 : i32
      %add3A_246 = arith.addi %mul3A_244, %add3A_245 : i32
      %get3A_247 = arith.index_cast %add3A_246 : i32 to index
      %get3A_248 = arith.constant 0 : index
      %get3A_249 = tpu.vector_load %arg6[%get3A_247, %get3A_248] {strides = array<i32>} : memref<128x200xi32, #tpu.memory_space<vmem>>, vector<16xi32>,
      %get3A_250 = arith.index_cast %add3A_246 : i32 to index
      %get3A_251 = arith.constant 16 : index
      %get3A_252 = tpu.vector_load %arg6[%get3A_250, %get3A_251] {strides = array<i32>} : memref<128x200xi32, #tpu.memory_space<vmem>>, vector<16xi32>,
      %mul3A_253 = arith.constant 11 : i32
      %mul3A_254 = vector.broadcast %mul3A_253 : i32 to vector<16xi32>
      %mul3A_255 = arith.muli %get3A_252, %mul3A_254 : vector<16xi32>
      %add3A_256 = arith.addi %get3A_249, %mul3A_255 : vector<16xi32>
      %gather3A_257 = tpu.vector_load_idx %arg8[%add3A_256] : memref<126xf32, #tpu.memory_space<vmem>>[vector<16xi32>], vector<16xf32>,
      %add3A_258 = arith.addf %add3A_242, %gather3A_257 : vector<16xf32>
      %get3A_259 = arith.index_cast %add3A_246 : i32 to index
      %get3A_260 = arith.constant 32 : index
      %get3A_261 = tpu.vector_load %arg6[%get3A_259, %get3A_260] {strides = array<i32>} : memref<128x200xi32, #tpu.memory_space<vmem>>, vector<16xi32>,
      %get3A_262 = arith.index_cast %add3A_246 : i32 to index
      %get3A_263 = arith.constant 48 : index
      %get3A_264 = tpu.vector_load %arg6[%get3A_262, %get3A_263] {strides = array<i32>} : memref<128x200xi32, #tpu.memory_space<vmem>>, vector<16xi32>,
      %mul3A_265 = arith.constant 11 : i32
      %mul3A_266 = vector.broadcast %mul3A_265 : i32 to vector<16xi32>
      %mul3A_267 = arith.muli %get3A_264, %mul3A_266 : vector<16xi32>
      %add3A_268 = arith.addi %get3A_261, %mul3A_267 : vector<16xi32>
      %gather3A_269 = tpu.vector_load_idx %arg8[%add3A_268] : memref<126xf32, #tpu.memory_space<vmem>>[vector<16xi32>], vector<16xf32>,
      %add3A_270 = arith.addf %add3A_234, %gather3A_269 : vector<16xf32>
      %get3A_271 = arith.index_cast %add3A_246 : i32 to index
      %get3A_272 = arith.constant 64 : index
      %get3A_273 = tpu.vector_load %arg6[%get3A_271, %get3A_272] {strides = array<i32>} : memref<128x200xi32, #tpu.memory_space<vmem>>, vector<16xi32>,
      %get3A_274 = arith.index_cast %add3A_246 : i32 to index
      %get3A_275 = arith.constant 80 : index
      %get3A_276 = tpu.vector_load %arg6[%get3A_274, %get3A_275] {strides = array<i32>} : memref<128x200xi32, #tpu.memory_space<vmem>>, vector<16xi32>,
      %mul3A_277 = arith.constant 11 : i32
      %mul3A_278 = vector.broadcast %mul3A_277 : i32 to vector<16xi32>
      %mul3A_279 = arith.muli %get3A_276, %mul3A_278 : vector<16xi32>
      %add3A_280 = arith.addi %get3A_273, %mul3A_279 : vector<16xi32>
      %gather3A_281 = tpu.vector_load_idx %arg8[%add3A_280] : memref<126xf32, #tpu.memory_space<vmem>>[vector<16xi32>], vector<16xf32>,
      %add3A_282 = arith.addf %add3A_198, %gather3A_281 : vector<16xf32>
      %get3A_283 = arith.index_cast %add3A_246 : i32 to index
      %get3A_284 = arith.constant 96 : index
      %get3A_285 = tpu.vector_load %arg6[%get3A_283, %get3A_284] {strides = array<i32>} : memref<128x200xi32, #tpu.memory_space<vmem>>, vector<16xi32>,
      %get3A_286 = arith.index_cast %add3A_246 : i32 to index
      %get3A_287 = arith.constant 112 : index
      %get3A_288 = tpu.vector_load %arg6[%get3A_286, %get3A_287] {strides = array<i32>} : memref<128x200xi32, #tpu.memory_space<vmem>>, vector<16xi32>,
      %mul3A_289 = arith.constant 11 : i32
      %mul3A_290 = vector.broadcast %mul3A_289 : i32 to vector<16xi32>
      %mul3A_291 = arith.muli %get3A_288, %mul3A_290 : vector<16xi32>
      %add3A_292 = arith.addi %get3A_285, %mul3A_291 : vector<16xi32>
      %gather3A_293 = tpu.vector_load_idx %arg8[%add3A_292] : memref<126xf32, #tpu.memory_space<vmem>>[vector<16xi32>], vector<16xf32>,
      %add3A_294 = arith.addf %add3A_210, %gather3A_293 : vector<16xf32>
      %get3A_295 = arith.index_cast %add3A_246 : i32 to index
      %get3A_296 = arith.constant 128 : index
      %get3A_297 = tpu.vector_load %arg6[%get3A_295, %get3A_296] {strides = array<i32>} : memref<128x200xi32, #tpu.memory_space<vmem>>, vector<16xi32>,
      %get3A_298 = arith.index_cast %add3A_246 : i32 to index
      %get3A_299 = arith.constant 144 : index
      %get3A_300 = tpu.vector_load %arg6[%get3A_298, %get3A_299] {strides = array<i32>} : memref<128x200xi32, #tpu.memory_space<vmem>>, vector<16xi32>,
      %mul3A_301 = arith.constant 11 : i32
      %mul3A_302 = vector.broadcast %mul3A_301 : i32 to vector<16xi32>
      %mul3A_303 = arith.muli %get3A_300, %mul3A_302 : vector<16xi32>
      %add3A_304 = arith.addi %get3A_297, %mul3A_303 : vector<16xi32>
      %gather3A_305 = tpu.vector_load_idx %arg8[%add3A_304] : memref<126xf32, #tpu.memory_space<vmem>>[vector<16xi32>], vector<16xf32>,
      %add3A_306 = arith.addf %add3A_258, %gather3A_305 : vector<16xf32>
      %get3A_307 = arith.index_cast %add3A_246 : i32 to index
      %get3A_308 = arith.constant 160 : index
      %get3A_309 = tpu.vector_load %arg6[%get3A_307, %get3A_308] {strides = array<i32>} : memref<128x200xi32, #tpu.memory_space<vmem>>, vector<16xi32>,
      %get3A_310 = arith.index_cast %add3A_246 : i32 to index
      %get3A_311 = arith.constant 176 : index
      %get3A_312 = tpu.vector_load %arg6[%get3A_310, %get3A_311] {strides = array<i32>} : memref<128x200xi32, #tpu.memory_space<vmem>>, vector<16xi32>,
      %mul3A_313 = arith.constant 11 : i32
      %mul3A_314 = vector.broadcast %mul3A_313 : i32 to vector<16xi32>
      %mul3A_315 = arith.muli %get3A_312, %mul3A_314 : vector<16xi32>
      %add3A_316 = arith.addi %get3A_309, %mul3A_315 : vector<16xi32>
      %gather3A_317 = tpu.vector_load_idx %arg8[%add3A_316] : memref<126xf32, #tpu.memory_space<vmem>>[vector<16xi32>], vector<16xf32>,
      %add3A_318 = arith.addf %add3A_270, %gather3A_317 : vector<16xf32>
      %get3A_319 = arith.index_cast %add3A_246 : i32 to index
      %get3A_320 = arith.constant 184 : index
      %get3A_321 = tpu.vector_load %arg6[%get3A_319, %get3A_320] {strides = array<i32>} : memref<128x200xi32, #tpu.memory_space<vmem>>, vector<16xi32>,
      %jit3A_322 = arith.constant 10 : i32
      %broadcast_in_dim3A_323 = vector.broadcast %jit3A_322 : i32 to vector<16xi32>
      %select_n3A_324 = arith.select %lt3A_4, %broadcast_in_dim3A_323, %get3A_321 : vector<16xi1>, vector<16xi32>
      %gather3A_325 = tpu.vector_load_idx %arg9[%select_n3A_324] : memref<16xf32, #tpu.memory_space<vmem>>[vector<16xi32>], vector<16xf32>,
      %add3A_326 = arith.addf %add3A_318, %gather3A_325 : vector<16xf32>
      scf.yield %add3A_306, %add3A_326, %add3A_282, %add3A_294 : vector<16xf32>, vector<16xf32>, vector<16xf32>, vector<16xf32>
    }
    %scan3A_123 = arith.constant 64 : i32
    %dma_wait3A_124 = arith.constant 0 : i32
    %dma_wait3A_125 = tpu.memref_slice %arg2[%add3A_113, %dma_wait3A_124] : memref<16384x200xi32, #tpu.memory_space<hbm>> -> memref<128x200xi32, #tpu.memory_space<hbm>>
    %dma_wait3A_126 = arith.constant 0 : i32
    %dma_wait3A_127 = tpu.memref_slice %arg2[%add3A_113, %dma_wait3A_126] : memref<16384x200xi32, #tpu.memory_space<hbm>> -> memref<128x200xi32, #tpu.memory_space<hbm>>
    tpu.wait_dma2 semaphore(%arg10 : memref<!tpu.dma_semaphore, #tpu.memory_space<semaphore_mem>>) src(%dma_wait3A_127 : memref<128x200xi32, #tpu.memory_space<hbm>>) dst(%arg5 : memref<128x200xi32, #tpu.memory_space<vmem>>)
    %add3A_128 = arith.constant 384 : i32
    %add3A_129 = arith.addi %mul3A_2, %add3A_128 : i32
    %dma_start3A_130 = arith.constant 0 : i32
    %dma_start3A_131 = tpu.memref_slice %arg2[%add3A_129, %dma_start3A_130] : memref<16384x200xi32, #tpu.memory_space<hbm>> -> memref<128x200xi32, #tpu.memory_space<hbm>>
    %dma_start3A_132 = arith.constant 0 : i32
    %dma_start3A_133 = tpu.memref_slice %arg2[%add3A_129, %dma_start3A_132] : memref<16384x200xi32, #tpu.memory_space<hbm>> -> memref<128x200xi32, #tpu.memory_space<hbm>>
    tpu.enqueue_dma source(%dma_start3A_133 : memref<128x200xi32, #tpu.memory_space<hbm>>) target(%arg6 : memref<128x200xi32, #tpu.memory_space<vmem>>) target_semaphore(%arg11 : memref<!tpu.dma_semaphore, #tpu.memory_space<semaphore_mem>>)
    %scan3A_134 = arith.constant 0 : i32
    %scan3A_135 = arith.constant 64 : i32
    %scan3A_136 = arith.addi %scan3A_134, %scan3A_135 : i32
    %scan3A_137 = arith.constant 1 : i32
    %scan3A_138:4 = scf.for %scan3A_155 = %scan3A_134 to %scan3A_136 step %scan3A_137 iter_args(%scan3A_156 = %scan3A_122#0, %scan3A_157 = %scan3A_122#1, %scan3A_158 = %scan3A_122#2, %scan3A_159 = %scan3A_122#3) -> (vector<16xf32>, vector<16xf32>, vector<16xf32>, vector<16xf32>)  : i32 {
      %mul3A_160 = arith.constant 2 : i32
      %mul3A_161 = arith.muli %scan3A_155, %mul3A_160 : i32
      %add3A_162 = arith.constant 0 : i32
      %add3A_163 = arith.addi %mul3A_161, %add3A_162 : i32
      %get3A = arith.index_cast %add3A_163 : i32 to index
      %get3A_164 = arith.constant 0 : index
      %get3A_165 = tpu.vector_load %arg5[%get3A, %get3A_164] {strides = array<i32>} : memref<128x200xi32, #tpu.memory_space<vmem>>, vector<16xi32>,
      %get3A_166 = arith.index_cast %add3A_163 : i32 to index
      %get3A_167 = arith.constant 16 : index
      %get3A_168 = tpu.vector_load %arg5[%get3A_166, %get3A_167] {strides = array<i32>} : memref<128x200xi32, #tpu.memory_space<vmem>>, vector<16xi32>,
      %mul3A_169 = arith.constant 11 : i32
      %mul3A_170 = vector.broadcast %mul3A_169 : i32 to vector<16xi32>
      %mul3A_171 = arith.muli %get3A_168, %mul3A_170 : vector<16xi32>
      %add3A_172 = arith.addi %get3A_165, %mul3A_171 : vector<16xi32>
      %gather3A_173 = tpu.vector_load_idx %arg8[%add3A_172] : memref<126xf32, #tpu.memory_space<vmem>>[vector<16xi32>], vector<16xf32>,
      %add3A_174 = arith.addf %scan3A_156, %gather3A_173 : vector<16xf32>
      %get3A_175 = arith.index_cast %add3A_163 : i32 to index
      %get3A_176 = arith.constant 32 : index
      %get3A_177 = tpu.vector_load %arg5[%get3A_175, %get3A_176] {strides = array<i32>} : memref<128x200xi32, #tpu.memory_space<vmem>>, vector<16xi32>,
      %get3A_178 = arith.index_cast %add3A_163 : i32 to index
      %get3A_179 = arith.constant 48 : index
      %get3A_180 = tpu.vector_load %arg5[%get3A_178, %get3A_179] {strides = array<i32>} : memref<128x200xi32, #tpu.memory_space<vmem>>, vector<16xi32>,
      %mul3A_181 = arith.constant 11 : i32
      %mul3A_182 = vector.broadcast %mul3A_181 : i32 to vector<16xi32>
      %mul3A_183 = arith.muli %get3A_180, %mul3A_182 : vector<16xi32>
      %add3A_184 = arith.addi %get3A_177, %mul3A_183 : vector<16xi32>
      %gather3A_185 = tpu.vector_load_idx %arg8[%add3A_184] : memref<126xf32, #tpu.memory_space<vmem>>[vector<16xi32>], vector<16xf32>,
      %add3A_186 = arith.addf %scan3A_157, %gather3A_185 : vector<16xf32>
      %get3A_187 = arith.index_cast %add3A_163 : i32 to index
      %get3A_188 = arith.constant 64 : index
      %get3A_189 = tpu.vector_load %arg5[%get3A_187, %get3A_188] {strides = array<i32>} : memref<128x200xi32, #tpu.memory_space<vmem>>, vector<16xi32>,
      %get3A_190 = arith.index_cast %add3A_163 : i32 to index
      %get3A_191 = arith.constant 80 : index
      %get3A_192 = tpu.vector_load %arg5[%get3A_190, %get3A_191] {strides = array<i32>} : memref<128x200xi32, #tpu.memory_space<vmem>>, vector<16xi32>,
      %mul3A_193 = arith.constant 11 : i32
      %mul3A_194 = vector.broadcast %mul3A_193 : i32 to vector<16xi32>
      %mul3A_195 = arith.muli %get3A_192, %mul3A_194 : vector<16xi32>
      %add3A_196 = arith.addi %get3A_189, %mul3A_195 : vector<16xi32>
      %gather3A_197 = tpu.vector_load_idx %arg8[%add3A_196] : memref<126xf32, #tpu.memory_space<vmem>>[vector<16xi32>], vector<16xf32>,
      %add3A_198 = arith.addf %scan3A_158, %gather3A_197 : vector<16xf32>
      %get3A_199 = arith.index_cast %add3A_163 : i32 to index
      %get3A_200 = arith.constant 96 : index
      %get3A_201 = tpu.vector_load %arg5[%get3A_199, %get3A_200] {strides = array<i32>} : memref<128x200xi32, #tpu.memory_space<vmem>>, vector<16xi32>,
      %get3A_202 = arith.index_cast %add3A_163 : i32 to index
      %get3A_203 = arith.constant 112 : index
      %get3A_204 = tpu.vector_load %arg5[%get3A_202, %get3A_203] {strides = array<i32>} : memref<128x200xi32, #tpu.memory_space<vmem>>, vector<16xi32>,
      %mul3A_205 = arith.constant 11 : i32
      %mul3A_206 = vector.broadcast %mul3A_205 : i32 to vector<16xi32>
      %mul3A_207 = arith.muli %get3A_204, %mul3A_206 : vector<16xi32>
      %add3A_208 = arith.addi %get3A_201, %mul3A_207 : vector<16xi32>
      %gather3A_209 = tpu.vector_load_idx %arg8[%add3A_208] : memref<126xf32, #tpu.memory_space<vmem>>[vector<16xi32>], vector<16xf32>,
      %add3A_210 = arith.addf %scan3A_159, %gather3A_209 : vector<16xf32>
      %get3A_211 = arith.index_cast %add3A_163 : i32 to index
      %get3A_212 = arith.constant 128 : index
      %get3A_213 = tpu.vector_load %arg5[%get3A_211, %get3A_212] {strides = array<i32>} : memref<128x200xi32, #tpu.memory_space<vmem>>, vector<16xi32>,
      %get3A_214 = arith.index_cast %add3A_163 : i32 to index
      %get3A_215 = arith.constant 144 : index
      %get3A_216 = tpu.vector_load %arg5[%get3A_214, %get3A_215] {strides = array<i32>} : memref<128x200xi32, #tpu.memory_space<vmem>>, vector<16xi32>,
      %mul3A_217 = arith.constant 11 : i32
      %mul3A_218 = vector.broadcast %mul3A_217 : i32 to vector<16xi32>
      %mul3A_219 = arith.muli %get3A_216, %mul3A_218 : vector<16xi32>
      %add3A_220 = arith.addi %get3A_213, %mul3A_219 : vector<16xi32>
      %gather3A_221 = tpu.vector_load_idx %arg8[%add3A_220] : memref<126xf32, #tpu.memory_space<vmem>>[vector<16xi32>], vector<16xf32>,
      %add3A_222 = arith.addf %add3A_174, %gather3A_221 : vector<16xf32>
      %get3A_223 = arith.index_cast %add3A_163 : i32 to index
      %get3A_224 = arith.constant 160 : index
      %get3A_225 = tpu.vector_load %arg5[%get3A_223, %get3A_224] {strides = array<i32>} : memref<128x200xi32, #tpu.memory_space<vmem>>, vector<16xi32>,
      %get3A_226 = arith.index_cast %add3A_163 : i32 to index
      %get3A_227 = arith.constant 176 : index
      %get3A_228 = tpu.vector_load %arg5[%get3A_226, %get3A_227] {strides = array<i32>} : memref<128x200xi32, #tpu.memory_space<vmem>>, vector<16xi32>,
      %mul3A_229 = arith.constant 11 : i32
      %mul3A_230 = vector.broadcast %mul3A_229 : i32 to vector<16xi32>
      %mul3A_231 = arith.muli %get3A_228, %mul3A_230 : vector<16xi32>
      %add3A_232 = arith.addi %get3A_225, %mul3A_231 : vector<16xi32>
      %gather3A_233 = tpu.vector_load_idx %arg8[%add3A_232] : memref<126xf32, #tpu.memory_space<vmem>>[vector<16xi32>], vector<16xf32>,
      %add3A_234 = arith.addf %add3A_186, %gather3A_233 : vector<16xf32>
      %get3A_235 = arith.index_cast %add3A_163 : i32 to index
      %get3A_236 = arith.constant 184 : index
      %get3A_237 = tpu.vector_load %arg5[%get3A_235, %get3A_236] {strides = array<i32>} : memref<128x200xi32, #tpu.memory_space<vmem>>, vector<16xi32>,
      %jit3A_238 = arith.constant 10 : i32
      %broadcast_in_dim3A_239 = vector.broadcast %jit3A_238 : i32 to vector<16xi32>
      %select_n3A_240 = arith.select %lt3A_4, %broadcast_in_dim3A_239, %get3A_237 : vector<16xi1>, vector<16xi32>
      %gather3A_241 = tpu.vector_load_idx %arg9[%select_n3A_240] : memref<16xf32, #tpu.memory_space<vmem>>[vector<16xi32>], vector<16xf32>,
      %add3A_242 = arith.addf %add3A_222, %gather3A_241 : vector<16xf32>
      %mul3A_243 = arith.constant 2 : i32
      %mul3A_244 = arith.muli %scan3A_155, %mul3A_243 : i32
      %add3A_245 = arith.constant 1 : i32
      %add3A_246 = arith.addi %mul3A_244, %add3A_245 : i32
      %get3A_247 = arith.index_cast %add3A_246 : i32 to index
      %get3A_248 = arith.constant 0 : index
      %get3A_249 = tpu.vector_load %arg5[%get3A_247, %get3A_248] {strides = array<i32>} : memref<128x200xi32, #tpu.memory_space<vmem>>, vector<16xi32>,
      %get3A_250 = arith.index_cast %add3A_246 : i32 to index
      %get3A_251 = arith.constant 16 : index
      %get3A_252 = tpu.vector_load %arg5[%get3A_250, %get3A_251] {strides = array<i32>} : memref<128x200xi32, #tpu.memory_space<vmem>>, vector<16xi32>,
      %mul3A_253 = arith.constant 11 : i32
      %mul3A_254 = vector.broadcast %mul3A_253 : i32 to vector<16xi32>
      %mul3A_255 = arith.muli %get3A_252, %mul3A_254 : vector<16xi32>
      %add3A_256 = arith.addi %get3A_249, %mul3A_255 : vector<16xi32>
      %gather3A_257 = tpu.vector_load_idx %arg8[%add3A_256] : memref<126xf32, #tpu.memory_space<vmem>>[vector<16xi32>], vector<16xf32>,
      %add3A_258 = arith.addf %add3A_242, %gather3A_257 : vector<16xf32>
      %get3A_259 = arith.index_cast %add3A_246 : i32 to index
      %get3A_260 = arith.constant 32 : index
      %get3A_261 = tpu.vector_load %arg5[%get3A_259, %get3A_260] {strides = array<i32>} : memref<128x200xi32, #tpu.memory_space<vmem>>, vector<16xi32>,
      %get3A_262 = arith.index_cast %add3A_246 : i32 to index
      %get3A_263 = arith.constant 48 : index
      %get3A_264 = tpu.vector_load %arg5[%get3A_262, %get3A_263] {strides = array<i32>} : memref<128x200xi32, #tpu.memory_space<vmem>>, vector<16xi32>,
      %mul3A_265 = arith.constant 11 : i32
      %mul3A_266 = vector.broadcast %mul3A_265 : i32 to vector<16xi32>
      %mul3A_267 = arith.muli %get3A_264, %mul3A_266 : vector<16xi32>
      %add3A_268 = arith.addi %get3A_261, %mul3A_267 : vector<16xi32>
      %gather3A_269 = tpu.vector_load_idx %arg8[%add3A_268] : memref<126xf32, #tpu.memory_space<vmem>>[vector<16xi32>], vector<16xf32>,
      %add3A_270 = arith.addf %add3A_234, %gather3A_269 : vector<16xf32>
      %get3A_271 = arith.index_cast %add3A_246 : i32 to index
      %get3A_272 = arith.constant 64 : index
      %get3A_273 = tpu.vector_load %arg5[%get3A_271, %get3A_272] {strides = array<i32>} : memref<128x200xi32, #tpu.memory_space<vmem>>, vector<16xi32>,
      %get3A_274 = arith.index_cast %add3A_246 : i32 to index
      %get3A_275 = arith.constant 80 : index
      %get3A_276 = tpu.vector_load %arg5[%get3A_274, %get3A_275] {strides = array<i32>} : memref<128x200xi32, #tpu.memory_space<vmem>>, vector<16xi32>,
      %mul3A_277 = arith.constant 11 : i32
      %mul3A_278 = vector.broadcast %mul3A_277 : i32 to vector<16xi32>
      %mul3A_279 = arith.muli %get3A_276, %mul3A_278 : vector<16xi32>
      %add3A_280 = arith.addi %get3A_273, %mul3A_279 : vector<16xi32>
      %gather3A_281 = tpu.vector_load_idx %arg8[%add3A_280] : memref<126xf32, #tpu.memory_space<vmem>>[vector<16xi32>], vector<16xf32>,
      %add3A_282 = arith.addf %add3A_198, %gather3A_281 : vector<16xf32>
      %get3A_283 = arith.index_cast %add3A_246 : i32 to index
      %get3A_284 = arith.constant 96 : index
      %get3A_285 = tpu.vector_load %arg5[%get3A_283, %get3A_284] {strides = array<i32>} : memref<128x200xi32, #tpu.memory_space<vmem>>, vector<16xi32>,
      %get3A_286 = arith.index_cast %add3A_246 : i32 to index
      %get3A_287 = arith.constant 112 : index
      %get3A_288 = tpu.vector_load %arg5[%get3A_286, %get3A_287] {strides = array<i32>} : memref<128x200xi32, #tpu.memory_space<vmem>>, vector<16xi32>,
      %mul3A_289 = arith.constant 11 : i32
      %mul3A_290 = vector.broadcast %mul3A_289 : i32 to vector<16xi32>
      %mul3A_291 = arith.muli %get3A_288, %mul3A_290 : vector<16xi32>
      %add3A_292 = arith.addi %get3A_285, %mul3A_291 : vector<16xi32>
      %gather3A_293 = tpu.vector_load_idx %arg8[%add3A_292] : memref<126xf32, #tpu.memory_space<vmem>>[vector<16xi32>], vector<16xf32>,
      %add3A_294 = arith.addf %add3A_210, %gather3A_293 : vector<16xf32>
      %get3A_295 = arith.index_cast %add3A_246 : i32 to index
      %get3A_296 = arith.constant 128 : index
      %get3A_297 = tpu.vector_load %arg5[%get3A_295, %get3A_296] {strides = array<i32>} : memref<128x200xi32, #tpu.memory_space<vmem>>, vector<16xi32>,
      %get3A_298 = arith.index_cast %add3A_246 : i32 to index
      %get3A_299 = arith.constant 144 : index
      %get3A_300 = tpu.vector_load %arg5[%get3A_298, %get3A_299] {strides = array<i32>} : memref<128x200xi32, #tpu.memory_space<vmem>>, vector<16xi32>,
      %mul3A_301 = arith.constant 11 : i32
      %mul3A_302 = vector.broadcast %mul3A_301 : i32 to vector<16xi32>
      %mul3A_303 = arith.muli %get3A_300, %mul3A_302 : vector<16xi32>
      %add3A_304 = arith.addi %get3A_297, %mul3A_303 : vector<16xi32>
      %gather3A_305 = tpu.vector_load_idx %arg8[%add3A_304] : memref<126xf32, #tpu.memory_space<vmem>>[vector<16xi32>], vector<16xf32>,
      %add3A_306 = arith.addf %add3A_258, %gather3A_305 : vector<16xf32>
      %get3A_307 = arith.index_cast %add3A_246 : i32 to index
      %get3A_308 = arith.constant 160 : index
      %get3A_309 = tpu.vector_load %arg5[%get3A_307, %get3A_308] {strides = array<i32>} : memref<128x200xi32, #tpu.memory_space<vmem>>, vector<16xi32>,
      %get3A_310 = arith.index_cast %add3A_246 : i32 to index
      %get3A_311 = arith.constant 176 : index
      %get3A_312 = tpu.vector_load %arg5[%get3A_310, %get3A_311] {strides = array<i32>} : memref<128x200xi32, #tpu.memory_space<vmem>>, vector<16xi32>,
      %mul3A_313 = arith.constant 11 : i32
      %mul3A_314 = vector.broadcast %mul3A_313 : i32 to vector<16xi32>
      %mul3A_315 = arith.muli %get3A_312, %mul3A_314 : vector<16xi32>
      %add3A_316 = arith.addi %get3A_309, %mul3A_315 : vector<16xi32>
      %gather3A_317 = tpu.vector_load_idx %arg8[%add3A_316] : memref<126xf32, #tpu.memory_space<vmem>>[vector<16xi32>], vector<16xf32>,
      %add3A_318 = arith.addf %add3A_270, %gather3A_317 : vector<16xf32>
      %get3A_319 = arith.index_cast %add3A_246 : i32 to index
      %get3A_320 = arith.constant 184 : index
      %get3A_321 = tpu.vector_load %arg5[%get3A_319, %get3A_320] {strides = array<i32>} : memref<128x200xi32, #tpu.memory_space<vmem>>, vector<16xi32>,
      %jit3A_322 = arith.constant 10 : i32
      %broadcast_in_dim3A_323 = vector.broadcast %jit3A_322 : i32 to vector<16xi32>
      %select_n3A_324 = arith.select %lt3A_4, %broadcast_in_dim3A_323, %get3A_321 : vector<16xi1>, vector<16xi32>
      %gather3A_325 = tpu.vector_load_idx %arg9[%select_n3A_324] : memref<16xf32, #tpu.memory_space<vmem>>[vector<16xi32>], vector<16xf32>,
      %add3A_326 = arith.addf %add3A_318, %gather3A_325 : vector<16xf32>
      scf.yield %add3A_306, %add3A_326, %add3A_282, %add3A_294 : vector<16xf32>, vector<16xf32>, vector<16xf32>, vector<16xf32>
    }
    %scan3A_139 = arith.constant 64 : i32
    %dma_wait3A_140 = arith.constant 0 : i32
    %dma_wait3A_141 = tpu.memref_slice %arg2[%add3A_129, %dma_wait3A_140] : memref<16384x200xi32, #tpu.memory_space<hbm>> -> memref<128x200xi32, #tpu.memory_space<hbm>>
    %dma_wait3A_142 = arith.constant 0 : i32
    %dma_wait3A_143 = tpu.memref_slice %arg2[%add3A_129, %dma_wait3A_142] : memref<16384x200xi32, #tpu.memory_space<hbm>> -> memref<128x200xi32, #tpu.memory_space<hbm>>
    tpu.wait_dma2 semaphore(%arg11 : memref<!tpu.dma_semaphore, #tpu.memory_space<semaphore_mem>>) src(%dma_wait3A_143 : memref<128x200xi32, #tpu.memory_space<hbm>>) dst(%arg6 : memref<128x200xi32, #tpu.memory_space<vmem>>)
    %scan3A_144 = arith.constant 0 : i32
    %scan3A_145 = arith.constant 64 : i32
    %scan3A_146 = arith.addi %scan3A_144, %scan3A_145 : i32
    %scan3A_147 = arith.constant 1 : i32
    %scan3A_148:4 = scf.for %scan3A_155 = %scan3A_144 to %scan3A_146 step %scan3A_147 iter_args(%scan3A_156 = %scan3A_138#0, %scan3A_157 = %scan3A_138#1, %scan3A_158 = %scan3A_138#2, %scan3A_159 = %scan3A_138#3) -> (vector<16xf32>, vector<16xf32>, vector<16xf32>, vector<16xf32>)  : i32 {
      %mul3A_160 = arith.constant 2 : i32
      %mul3A_161 = arith.muli %scan3A_155, %mul3A_160 : i32
      %add3A_162 = arith.constant 0 : i32
      %add3A_163 = arith.addi %mul3A_161, %add3A_162 : i32
      %get3A = arith.index_cast %add3A_163 : i32 to index
      %get3A_164 = arith.constant 0 : index
      %get3A_165 = tpu.vector_load %arg6[%get3A, %get3A_164] {strides = array<i32>} : memref<128x200xi32, #tpu.memory_space<vmem>>, vector<16xi32>,
      %get3A_166 = arith.index_cast %add3A_163 : i32 to index
      %get3A_167 = arith.constant 16 : index
      %get3A_168 = tpu.vector_load %arg6[%get3A_166, %get3A_167] {strides = array<i32>} : memref<128x200xi32, #tpu.memory_space<vmem>>, vector<16xi32>,
      %mul3A_169 = arith.constant 11 : i32
      %mul3A_170 = vector.broadcast %mul3A_169 : i32 to vector<16xi32>
      %mul3A_171 = arith.muli %get3A_168, %mul3A_170 : vector<16xi32>
      %add3A_172 = arith.addi %get3A_165, %mul3A_171 : vector<16xi32>
      %gather3A_173 = tpu.vector_load_idx %arg8[%add3A_172] : memref<126xf32, #tpu.memory_space<vmem>>[vector<16xi32>], vector<16xf32>,
      %add3A_174 = arith.addf %scan3A_156, %gather3A_173 : vector<16xf32>
      %get3A_175 = arith.index_cast %add3A_163 : i32 to index
      %get3A_176 = arith.constant 32 : index
      %get3A_177 = tpu.vector_load %arg6[%get3A_175, %get3A_176] {strides = array<i32>} : memref<128x200xi32, #tpu.memory_space<vmem>>, vector<16xi32>,
      %get3A_178 = arith.index_cast %add3A_163 : i32 to index
      %get3A_179 = arith.constant 48 : index
      %get3A_180 = tpu.vector_load %arg6[%get3A_178, %get3A_179] {strides = array<i32>} : memref<128x200xi32, #tpu.memory_space<vmem>>, vector<16xi32>,
      %mul3A_181 = arith.constant 11 : i32
      %mul3A_182 = vector.broadcast %mul3A_181 : i32 to vector<16xi32>
      %mul3A_183 = arith.muli %get3A_180, %mul3A_182 : vector<16xi32>
      %add3A_184 = arith.addi %get3A_177, %mul3A_183 : vector<16xi32>
      %gather3A_185 = tpu.vector_load_idx %arg8[%add3A_184] : memref<126xf32, #tpu.memory_space<vmem>>[vector<16xi32>], vector<16xf32>,
      %add3A_186 = arith.addf %scan3A_157, %gather3A_185 : vector<16xf32>
      %get3A_187 = arith.index_cast %add3A_163 : i32 to index
      %get3A_188 = arith.constant 64 : index
      %get3A_189 = tpu.vector_load %arg6[%get3A_187, %get3A_188] {strides = array<i32>} : memref<128x200xi32, #tpu.memory_space<vmem>>, vector<16xi32>,
      %get3A_190 = arith.index_cast %add3A_163 : i32 to index
      %get3A_191 = arith.constant 80 : index
      %get3A_192 = tpu.vector_load %arg6[%get3A_190, %get3A_191] {strides = array<i32>} : memref<128x200xi32, #tpu.memory_space<vmem>>, vector<16xi32>,
      %mul3A_193 = arith.constant 11 : i32
      %mul3A_194 = vector.broadcast %mul3A_193 : i32 to vector<16xi32>
      %mul3A_195 = arith.muli %get3A_192, %mul3A_194 : vector<16xi32>
      %add3A_196 = arith.addi %get3A_189, %mul3A_195 : vector<16xi32>
      %gather3A_197 = tpu.vector_load_idx %arg8[%add3A_196] : memref<126xf32, #tpu.memory_space<vmem>>[vector<16xi32>], vector<16xf32>,
      %add3A_198 = arith.addf %scan3A_158, %gather3A_197 : vector<16xf32>
      %get3A_199 = arith.index_cast %add3A_163 : i32 to index
      %get3A_200 = arith.constant 96 : index
      %get3A_201 = tpu.vector_load %arg6[%get3A_199, %get3A_200] {strides = array<i32>} : memref<128x200xi32, #tpu.memory_space<vmem>>, vector<16xi32>,
      %get3A_202 = arith.index_cast %add3A_163 : i32 to index
      %get3A_203 = arith.constant 112 : index
      %get3A_204 = tpu.vector_load %arg6[%get3A_202, %get3A_203] {strides = array<i32>} : memref<128x200xi32, #tpu.memory_space<vmem>>, vector<16xi32>,
      %mul3A_205 = arith.constant 11 : i32
      %mul3A_206 = vector.broadcast %mul3A_205 : i32 to vector<16xi32>
      %mul3A_207 = arith.muli %get3A_204, %mul3A_206 : vector<16xi32>
      %add3A_208 = arith.addi %get3A_201, %mul3A_207 : vector<16xi32>
      %gather3A_209 = tpu.vector_load_idx %arg8[%add3A_208] : memref<126xf32, #tpu.memory_space<vmem>>[vector<16xi32>], vector<16xf32>,
      %add3A_210 = arith.addf %scan3A_159, %gather3A_209 : vector<16xf32>
      %get3A_211 = arith.index_cast %add3A_163 : i32 to index
      %get3A_212 = arith.constant 128 : index
      %get3A_213 = tpu.vector_load %arg6[%get3A_211, %get3A_212] {strides = array<i32>} : memref<128x200xi32, #tpu.memory_space<vmem>>, vector<16xi32>,
      %get3A_214 = arith.index_cast %add3A_163 : i32 to index
      %get3A_215 = arith.constant 144 : index
      %get3A_216 = tpu.vector_load %arg6[%get3A_214, %get3A_215] {strides = array<i32>} : memref<128x200xi32, #tpu.memory_space<vmem>>, vector<16xi32>,
      %mul3A_217 = arith.constant 11 : i32
      %mul3A_218 = vector.broadcast %mul3A_217 : i32 to vector<16xi32>
      %mul3A_219 = arith.muli %get3A_216, %mul3A_218 : vector<16xi32>
      %add3A_220 = arith.addi %get3A_213, %mul3A_219 : vector<16xi32>
      %gather3A_221 = tpu.vector_load_idx %arg8[%add3A_220] : memref<126xf32, #tpu.memory_space<vmem>>[vector<16xi32>], vector<16xf32>,
      %add3A_222 = arith.addf %add3A_174, %gather3A_221 : vector<16xf32>
      %get3A_223 = arith.index_cast %add3A_163 : i32 to index
      %get3A_224 = arith.constant 160 : index
      %get3A_225 = tpu.vector_load %arg6[%get3A_223, %get3A_224] {strides = array<i32>} : memref<128x200xi32, #tpu.memory_space<vmem>>, vector<16xi32>,
      %get3A_226 = arith.index_cast %add3A_163 : i32 to index
      %get3A_227 = arith.constant 176 : index
      %get3A_228 = tpu.vector_load %arg6[%get3A_226, %get3A_227] {strides = array<i32>} : memref<128x200xi32, #tpu.memory_space<vmem>>, vector<16xi32>,
      %mul3A_229 = arith.constant 11 : i32
      %mul3A_230 = vector.broadcast %mul3A_229 : i32 to vector<16xi32>
      %mul3A_231 = arith.muli %get3A_228, %mul3A_230 : vector<16xi32>
      %add3A_232 = arith.addi %get3A_225, %mul3A_231 : vector<16xi32>
      %gather3A_233 = tpu.vector_load_idx %arg8[%add3A_232] : memref<126xf32, #tpu.memory_space<vmem>>[vector<16xi32>], vector<16xf32>,
      %add3A_234 = arith.addf %add3A_186, %gather3A_233 : vector<16xf32>
      %get3A_235 = arith.index_cast %add3A_163 : i32 to index
      %get3A_236 = arith.constant 184 : index
      %get3A_237 = tpu.vector_load %arg6[%get3A_235, %get3A_236] {strides = array<i32>} : memref<128x200xi32, #tpu.memory_space<vmem>>, vector<16xi32>,
      %jit3A_238 = arith.constant 10 : i32
      %broadcast_in_dim3A_239 = vector.broadcast %jit3A_238 : i32 to vector<16xi32>
      %select_n3A_240 = arith.select %lt3A_4, %broadcast_in_dim3A_239, %get3A_237 : vector<16xi1>, vector<16xi32>
      %gather3A_241 = tpu.vector_load_idx %arg9[%select_n3A_240] : memref<16xf32, #tpu.memory_space<vmem>>[vector<16xi32>], vector<16xf32>,
      %add3A_242 = arith.addf %add3A_222, %gather3A_241 : vector<16xf32>
      %mul3A_243 = arith.constant 2 : i32
      %mul3A_244 = arith.muli %scan3A_155, %mul3A_243 : i32
      %add3A_245 = arith.constant 1 : i32
      %add3A_246 = arith.addi %mul3A_244, %add3A_245 : i32
      %get3A_247 = arith.index_cast %add3A_246 : i32 to index
      %get3A_248 = arith.constant 0 : index
      %get3A_249 = tpu.vector_load %arg6[%get3A_247, %get3A_248] {strides = array<i32>} : memref<128x200xi32, #tpu.memory_space<vmem>>, vector<16xi32>,
      %get3A_250 = arith.index_cast %add3A_246 : i32 to index
      %get3A_251 = arith.constant 16 : index
      %get3A_252 = tpu.vector_load %arg6[%get3A_250, %get3A_251] {strides = array<i32>} : memref<128x200xi32, #tpu.memory_space<vmem>>, vector<16xi32>,
      %mul3A_253 = arith.constant 11 : i32
      %mul3A_254 = vector.broadcast %mul3A_253 : i32 to vector<16xi32>
      %mul3A_255 = arith.muli %get3A_252, %mul3A_254 : vector<16xi32>
      %add3A_256 = arith.addi %get3A_249, %mul3A_255 : vector<16xi32>
      %gather3A_257 = tpu.vector_load_idx %arg8[%add3A_256] : memref<126xf32, #tpu.memory_space<vmem>>[vector<16xi32>], vector<16xf32>,
      %add3A_258 = arith.addf %add3A_242, %gather3A_257 : vector<16xf32>
      %get3A_259 = arith.index_cast %add3A_246 : i32 to index
      %get3A_260 = arith.constant 32 : index
      %get3A_261 = tpu.vector_load %arg6[%get3A_259, %get3A_260] {strides = array<i32>} : memref<128x200xi32, #tpu.memory_space<vmem>>, vector<16xi32>,
      %get3A_262 = arith.index_cast %add3A_246 : i32 to index
      %get3A_263 = arith.constant 48 : index
      %get3A_264 = tpu.vector_load %arg6[%get3A_262, %get3A_263] {strides = array<i32>} : memref<128x200xi32, #tpu.memory_space<vmem>>, vector<16xi32>,
      %mul3A_265 = arith.constant 11 : i32
      %mul3A_266 = vector.broadcast %mul3A_265 : i32 to vector<16xi32>
      %mul3A_267 = arith.muli %get3A_264, %mul3A_266 : vector<16xi32>
      %add3A_268 = arith.addi %get3A_261, %mul3A_267 : vector<16xi32>
      %gather3A_269 = tpu.vector_load_idx %arg8[%add3A_268] : memref<126xf32, #tpu.memory_space<vmem>>[vector<16xi32>], vector<16xf32>,
      %add3A_270 = arith.addf %add3A_234, %gather3A_269 : vector<16xf32>
      %get3A_271 = arith.index_cast %add3A_246 : i32 to index
      %get3A_272 = arith.constant 64 : index
      %get3A_273 = tpu.vector_load %arg6[%get3A_271, %get3A_272] {strides = array<i32>} : memref<128x200xi32, #tpu.memory_space<vmem>>, vector<16xi32>,
      %get3A_274 = arith.index_cast %add3A_246 : i32 to index
      %get3A_275 = arith.constant 80 : index
      %get3A_276 = tpu.vector_load %arg6[%get3A_274, %get3A_275] {strides = array<i32>} : memref<128x200xi32, #tpu.memory_space<vmem>>, vector<16xi32>,
      %mul3A_277 = arith.constant 11 : i32
      %mul3A_278 = vector.broadcast %mul3A_277 : i32 to vector<16xi32>
      %mul3A_279 = arith.muli %get3A_276, %mul3A_278 : vector<16xi32>
      %add3A_280 = arith.addi %get3A_273, %mul3A_279 : vector<16xi32>
      %gather3A_281 = tpu.vector_load_idx %arg8[%add3A_280] : memref<126xf32, #tpu.memory_space<vmem>>[vector<16xi32>], vector<16xf32>,
      %add3A_282 = arith.addf %add3A_198, %gather3A_281 : vector<16xf32>
      %get3A_283 = arith.index_cast %add3A_246 : i32 to index
      %get3A_284 = arith.constant 96 : index
      %get3A_285 = tpu.vector_load %arg6[%get3A_283, %get3A_284] {strides = array<i32>} : memref<128x200xi32, #tpu.memory_space<vmem>>, vector<16xi32>,
      %get3A_286 = arith.index_cast %add3A_246 : i32 to index
      %get3A_287 = arith.constant 112 : index
      %get3A_288 = tpu.vector_load %arg6[%get3A_286, %get3A_287] {strides = array<i32>} : memref<128x200xi32, #tpu.memory_space<vmem>>, vector<16xi32>,
      %mul3A_289 = arith.constant 11 : i32
      %mul3A_290 = vector.broadcast %mul3A_289 : i32 to vector<16xi32>
      %mul3A_291 = arith.muli %get3A_288, %mul3A_290 : vector<16xi32>
      %add3A_292 = arith.addi %get3A_285, %mul3A_291 : vector<16xi32>
      %gather3A_293 = tpu.vector_load_idx %arg8[%add3A_292] : memref<126xf32, #tpu.memory_space<vmem>>[vector<16xi32>], vector<16xf32>,
      %add3A_294 = arith.addf %add3A_210, %gather3A_293 : vector<16xf32>
      %get3A_295 = arith.index_cast %add3A_246 : i32 to index
      %get3A_296 = arith.constant 128 : index
      %get3A_297 = tpu.vector_load %arg6[%get3A_295, %get3A_296] {strides = array<i32>} : memref<128x200xi32, #tpu.memory_space<vmem>>, vector<16xi32>,
      %get3A_298 = arith.index_cast %add3A_246 : i32 to index
      %get3A_299 = arith.constant 144 : index
      %get3A_300 = tpu.vector_load %arg6[%get3A_298, %get3A_299] {strides = array<i32>} : memref<128x200xi32, #tpu.memory_space<vmem>>, vector<16xi32>,
      %mul3A_301 = arith.constant 11 : i32
      %mul3A_302 = vector.broadcast %mul3A_301 : i32 to vector<16xi32>
      %mul3A_303 = arith.muli %get3A_300, %mul3A_302 : vector<16xi32>
      %add3A_304 = arith.addi %get3A_297, %mul3A_303 : vector<16xi32>
      %gather3A_305 = tpu.vector_load_idx %arg8[%add3A_304] : memref<126xf32, #tpu.memory_space<vmem>>[vector<16xi32>], vector<16xf32>,
      %add3A_306 = arith.addf %add3A_258, %gather3A_305 : vector<16xf32>
      %get3A_307 = arith.index_cast %add3A_246 : i32 to index
      %get3A_308 = arith.constant 160 : index
      %get3A_309 = tpu.vector_load %arg6[%get3A_307, %get3A_308] {strides = array<i32>} : memref<128x200xi32, #tpu.memory_space<vmem>>, vector<16xi32>,
      %get3A_310 = arith.index_cast %add3A_246 : i32 to index
      %get3A_311 = arith.constant 176 : index
      %get3A_312 = tpu.vector_load %arg6[%get3A_310, %get3A_311] {strides = array<i32>} : memref<128x200xi32, #tpu.memory_space<vmem>>, vector<16xi32>,
      %mul3A_313 = arith.constant 11 : i32
      %mul3A_314 = vector.broadcast %mul3A_313 : i32 to vector<16xi32>
      %mul3A_315 = arith.muli %get3A_312, %mul3A_314 : vector<16xi32>
      %add3A_316 = arith.addi %get3A_309, %mul3A_315 : vector<16xi32>
      %gather3A_317 = tpu.vector_load_idx %arg8[%add3A_316] : memref<126xf32, #tpu.memory_space<vmem>>[vector<16xi32>], vector<16xf32>,
      %add3A_318 = arith.addf %add3A_270, %gather3A_317 : vector<16xf32>
      %get3A_319 = arith.index_cast %add3A_246 : i32 to index
      %get3A_320 = arith.constant 184 : index
      %get3A_321 = tpu.vector_load %arg6[%get3A_319, %get3A_320] {strides = array<i32>} : memref<128x200xi32, #tpu.memory_space<vmem>>, vector<16xi32>,
      %jit3A_322 = arith.constant 10 : i32
      %broadcast_in_dim3A_323 = vector.broadcast %jit3A_322 : i32 to vector<16xi32>
      %select_n3A_324 = arith.select %lt3A_4, %broadcast_in_dim3A_323, %get3A_321 : vector<16xi1>, vector<16xi32>
      %gather3A_325 = tpu.vector_load_idx %arg9[%select_n3A_324] : memref<16xf32, #tpu.memory_space<vmem>>[vector<16xi32>], vector<16xf32>,
      %add3A_326 = arith.addf %add3A_318, %gather3A_325 : vector<16xf32>
      scf.yield %add3A_306, %add3A_326, %add3A_282, %add3A_294 : vector<16xf32>, vector<16xf32>, vector<16xf32>, vector<16xf32>
    }
    %scan3A_149 = arith.constant 64 : i32
    %add3A_150 = arith.addf %scan3A_148#0, %scan3A_148#1 : vector<16xf32>
    %add3A_151 = arith.addf %scan3A_148#2, %scan3A_148#3 : vector<16xf32>
    %add3A_152 = arith.addf %add3A_150, %add3A_151 : vector<16xf32>
    %swap3A_153 = arith.constant 0 : index
    %swap3A_154 = tpu.vector_load %arg9[%swap3A_153] {strides = array<i32>} : memref<16xf32, #tpu.memory_space<vmem>>, vector<16xf32>,
    tpu.vector_store %arg9[%swap3A_153], %add3A_152 {strides = array<i32>} : memref<16xf32, #tpu.memory_space<vmem>>, vector<16xf32>,
    "tpu.region"() ({
      %run_scoped3A = tpu.sem_alloc : memref<!tpu.dma_semaphore, #tpu.memory_space<semaphore_mem>>
      %dma_start3A_155 = arith.constant 0 : i32
      %dma_start3A_156 = tpu.memref_slice %arg4[%add3A, %dma_start3A_155] : memref<32x16xf32, #tpu.memory_space<hbm>> -> memref<1x16xf32, #tpu.memory_space<hbm>>
      %dma_start3A_157 = tpu.memref_squeeze %dma_start3A_156 : memref<1x16xf32, #tpu.memory_space<hbm>> -> memref<16xf32, #tpu.memory_space<hbm>>
      %dma_start3A_158 = arith.constant 0 : i32
      %dma_start3A_159 = tpu.memref_slice %arg4[%add3A, %dma_start3A_158] : memref<32x16xf32, #tpu.memory_space<hbm>> -> memref<1x16xf32, #tpu.memory_space<hbm>>
      %dma_start3A_160 = tpu.memref_squeeze %dma_start3A_159 : memref<1x16xf32, #tpu.memory_space<hbm>> -> memref<16xf32, #tpu.memory_space<hbm>>
      tpu.enqueue_dma source(%arg9 : memref<16xf32, #tpu.memory_space<vmem>>) target(%dma_start3A_160 : memref<16xf32, #tpu.memory_space<hbm>>) target_semaphore(%run_scoped3A : memref<!tpu.dma_semaphore, #tpu.memory_space<semaphore_mem>>)
      %dma_wait3A_161 = arith.constant 0 : i32
      %dma_wait3A_162 = tpu.memref_slice %arg4[%add3A, %dma_wait3A_161] : memref<32x16xf32, #tpu.memory_space<hbm>> -> memref<1x16xf32, #tpu.memory_space<hbm>>
      %dma_wait3A_163 = tpu.memref_squeeze %dma_wait3A_162 : memref<1x16xf32, #tpu.memory_space<hbm>> -> memref<16xf32, #tpu.memory_space<hbm>>
      %dma_wait3A_164 = arith.constant 0 : i32
      %dma_wait3A_165 = tpu.memref_slice %arg4[%add3A, %dma_wait3A_164] : memref<32x16xf32, #tpu.memory_space<hbm>> -> memref<1x16xf32, #tpu.memory_space<hbm>>
      %dma_wait3A_166 = tpu.memref_squeeze %dma_wait3A_165 : memref<1x16xf32, #tpu.memory_space<hbm>> -> memref<16xf32, #tpu.memory_space<hbm>>
      tpu.wait_dma2 semaphore(%run_scoped3A : memref<!tpu.dma_semaphore, #tpu.memory_space<semaphore_mem>>) src(%arg9 : memref<16xf32, #tpu.memory_space<vmem>>) dst(%dma_wait3A_166 : memref<16xf32, #tpu.memory_space<hbm>>)
      tpu.yield
    }) : () -> ()
    return
  }
}

</mosaic_0001>

<sc_bundles>
// kernel: kernel.3.cloned.1.call-start
scs
__scs_entry_jumppad:
0x0: {  	(pc) =	sbr.rel $0x88, $3  }
0x1: {  	(tag) =	ssettag $0x0;
	lr =	simm.s32 $0x1  }
0x2: {  	[smem:$0x3F9F] =	sst lr;
	_ =	strace $0xD0000000  }
0x3: {  	_ = 	snop  }
0x4: {  	_ = 	snop  }
0x5: {  	_ = 	snop  }
0x6: {  	_ = 	snop  }
0x7: {  	_ = 	snop  }
__scs_overlays_trampoline_lowered:
0x8: {  	[smem:$0x3FAE] =	sst s0  }
0x9: {  	[smem:$0x3FAF] =	sst s1  }
0xa: {  	[smem:$0x3FB0] =	sst s2  }
0xb: {  	[smem:$0x3FB1] =	sst s3  }
0xc: {  	[smem:$0x3FB2] =	sst s4  }
0xd: {  	[smem:$0x3FB3] =	sst s5  }
0xe: {  	[smem:$0x3FB4] =	sst s6  }
0xf: {  	[smem:$0x3FB5] =	sst s7  }
0x10: {  	[smem:$0x3FB6] =	sst s8  }
0x11: {  	[smem:$0x3FB7] =	sst s9;
	s0 =	simm.s32 @!p0 $0x0  }
0x12: {  	s1 =	sld [smem:$0x3F9D];
	s0 =	simm.s32 @p0 $0x1  }
0x13: {  	[smem:$0x3FB8] =	sst s0;
	s0 =	simm.s32 @!p1 $0x0  }
0x14: {  	s2 =	sld [smem:$0x3F9C];
	s0 =	simm.s32 @p1 $0x1  }
0x15: {  	[smem:$0x3FB9] =	sst s0;
	s0 =	simm.s32 @!p2 $0x0  }
0x16: {  	s3 =	sld [smem:$0x3FDB];
	s0 =	simm.s32 @p2 $0x1  }
0x17: {  	s4 =	simm.s32 $0x1BF5;
	[smem:$0x3FBB] =	sst s0  }
0x18: {  	s0 =	sld [smem:$0x3F9E];
	_ =	swait.ge [sflag:s4], $0x0  }
0x19: {  	s7 =	sld [smem:$0x3F9F]  }
0x1a: {  	s8 =	sadd.s32 $0xFFFFE003, lr  }
0x1b: {  	s9 =	sadd.s32 $0xFFFFFEF7, lr;
	s5 =	simm.s32 $0xFFFFFFFF;
	p2 =	slt.u32 s8, $0xFFFFF086  }
0x1c: {  	p1 =	slt.u32 s9, $0xF7A;
	s5 =	simm.s32 @!p2 $0x0  }
0x1d: {  	s5 =	simm.s32 @p1 $0x1;
	p0 =	seq.s32 s7, s2  }
0x1e: {  	s7 =	smul.u32 @!p0 $0xF7A, s2;
	p2 =	seq.s32 @!p0 s5, $0x0  }
0x1f: {  	s9 =	smul.u32 $0xF7A, s1;
	s8 =	simm.s32 @!p0 $0x1BF5;
	p2 =	por !p2, p0  }
0x20: {  	[sflag:s8] =	ssyncset.s32 @!p0 $0xFFFFF086;
	s6 =	sadd.s32 @!p0 s3, s7;
	s7 =	simm.s32 @!p0 $0x108  }
0x21: {  	s3 =	sadd.s32 s3, s9;
	s6 =	sadd.s32 @!p0 $0x88, s6;
	s7 =	simm.s32 @p2 $0x1082  }
0x22: {  	[simem:s7], [sflag:s8] =	dma.local @!p0 [hbm:s6], $0xF7A  }
0x23: {  	s9 =	sor.u32 $0xD0000000, s2;
	s6 =	simm.s32 $0x108;
	_ =	swait.ge @!p0 [sflag:s8], $0x0  }
0x24: {  	s3 =	sadd.s32 $0x88, s3;
	s6 =	simm.s32 @!p1 $0x1082;
	[sflag:s4] =	ssyncset.s32 $0xFFFFF086  }
0x25: {  	[simem:s6], [sflag:s4] =	dma.local [hbm:s3], $0xF7A  }
0x26: {  	[smem:$0x3F9F] =	sst s1;
	(tag) =	ssettag s2;
	_ =	strace s9  }
0x27: {  	s1 =	sld [smem:$0x3FAF]  }
0x28: {  	s2 =	sld [smem:$0x3FB0]  }
0x29: {  	s4 =	sld [smem:$0x3FB2]  }
0x2a: {  	p0 =	seq.s32 s5, $0x0;
	s5 =	sld [smem:$0x3FB3]  }
0x2b: {  	s6 =	sld [smem:$0x3FB4]  }
0x2c: {  	s7 =	sld [smem:$0x3FB5]  }
0x2d: {  	s3 =	simm.s32 $0x108;
	s8 =	sld [smem:$0x3FB6]  }
0x2e: {  	s3 =	simm.s32 @!p0 $0x1082;
	s9 =	sld [smem:$0x3FB7]  }
0x2f: {  	lr =	sadd.s32 s0, s3;
	s0 =	sld [smem:$0x3FAE]  }
0x30: {  	s3 =	sld [smem:$0x3FB1]  }
0x31: {  	[smem:$0x3FBA] =	sst s10  }
0x32: {  	s10 =	sld [smem:$0x3FB8];
	_ =	sdelay $0x3  }
0x33: {  	p0 =	seq.s32 s10, $0x1;
	s10 =	sld [smem:$0x3FBA];
	_ =	sdelay $0x3  }
0x34: {  	[smem:$0x3FBA] =	sst s10  }
0x35: {  	s10 =	sld [smem:$0x3FB9];
	_ =	sdelay $0x3  }
0x36: {  	p1 =	seq.s32 s10, $0x1;
	s10 =	sld [smem:$0x3FBA];
	_ =	sdelay $0x3  }
0x37: {  	[smem:$0x3FBA] =	sst s10  }
0x38: {  	s10 =	sld [smem:$0x3FBB]  }
0x39: {  	_ = 	snop;
	(pc) =	sbr.ind lr, $3  }
0x3a: {  	_ = 	snop  }
0x3b: {  	_ = 	snop  }
0x3c: {  	p2 =	seq.s32 s10, $0x1;
	s10 =	sld [smem:$0x3FBA]  }
0x3d: {  	_ =	shalt  }
0x3e: {  	_ =	shalt  }
0x3f: {  	_ =	shalt  }
0x40: {  	_ =	shalt  }
0x41: {  	_ =	shalt  }
0x42: {  	_ =	shalt  }
0x43: {  	_ =	shalt  }
0x44: {  	_ =	shalt  }
0x45: {  	_ =	shalt  }
0x46: {  	_ =	shalt  }
0x47: {  	_ =	shalt  }
0x48: {  	_ =	shalt  }
0x49: {  	_ =	shalt  }
0x4a: {  	_ =	shalt  }
0x4b: {  	_ =	shalt  }
0x4c: {  	_ =	shalt  }
0x4d: {  	_ =	shalt  }
0x4e: {  	_ =	shalt  }
0x4f: {  	_ =	shalt  }
0x50: {  	_ =	shalt  }
0x51: {  	_ =	shalt  }
0x52: {  	_ =	shalt  }
0x53: {  	_ =	shalt  }
0x54: {  	_ =	shalt  }
0x55: {  	_ =	shalt  }
0x56: {  	_ =	shalt  }
0x57: {  	_ =	shalt  }
0x58: {  	_ =	shalt  }
0x59: {  	_ =	shalt  }
0x5a: {  	_ =	shalt  }
0x5b: {  	_ =	shalt  }
0x5c: {  	_ =	shalt  }
0x5d: {  	_ =	shalt  }
0x5e: {  	_ =	shalt  }
0x5f: {  	_ =	shalt  }
0x60: {  	_ =	shalt  }
0x61: {  	_ =	shalt  }
0x62: {  	_ =	shalt  }
0x63: {  	_ =	shalt  }
0x64: {  	_ =	shalt  }
0x65: {  	_ =	shalt  }
0x66: {  	_ =	shalt  }
0x67: {  	_ =	shalt  }
0x68: {  	_ =	shalt  }
0x69: {  	_ =	shalt  }
0x6a: {  	_ =	shalt  }
0x6b: {  	_ =	shalt  }
0x6c: {  	_ =	shalt  }
0x6d: {  	_ =	shalt  }
0x6e: {  	_ =	shalt  }
0x6f: {  	_ =	shalt  }
0x70: {  	_ =	shalt  }
0x71: {  	_ =	shalt  }
0x72: {  	_ =	shalt  }
0x73: {  	_ =	shalt  }
0x74: {  	_ =	shalt  }
0x75: {  	_ =	shalt  }
0x76: {  	_ =	shalt  }
0x77: {  	_ =	shalt  }
0x78: {  	_ =	shalt  }
0x79: {  	_ =	shalt  }
0x7a: {  	_ =	shalt  }
0x7b: {  	_ =	shalt  }
0x7c: {  	_ =	shalt  }
0x7d: {  	_ =	shalt  }
0x7e: {  	_ =	shalt  }
0x7f: {  	_ =	shalt  }
0x80: {  	_ =	shalt  }
0x81: {  	_ =	shalt  }
0x82: {  	_ =	shalt  }
0x83: {  	_ =	shalt  }
0x84: {  	_ =	shalt  }
0x85: {  	_ =	shalt  }
0x86: {  	_ =	shalt  }
0x87: {  	_ =	shalt  }
.Lfunc_end0:
.L_simem_size_0:
called_computation_lowered:
.L_overlay_start_0:
0x88: {  	s2 =	sld [smem:$0x3FD9]  }
0x89: {  	s3 =	sld [smem:$0x3FFE];
	_ =	sdelay $0x1  }
0x8a: {  	s1 =	srdreg.scid  }
0x8b: {  	s0 =	sand.u32 $0x1, s1  }
0x8c: {  	s16 =	sshll.u32 s0, $0xA;
	s2 =	sadd.s32 s3, s2  }
0x8d: {  	s2 =	sadd.s32 s2, s16  }
0x8e: {  	[smem:$0x3FC6] =	sst s2  }
0x8f: {  	_ = 	snop  }
0x90: {  	(tm) =	ssettm $0x1  }
0x91: {  	s17 =	sld [smem:$0x3FFB];
	_ =	sdelay $0x3  }
0x92: {  	_ =	strace s17  }
0x93: {  	s2 =	sld [smem:$0x3FFC];
	_ =	sdelay $0x3  }
0x94: {  	_ =	strace s2  }
0x95: {  	s2 =	sld [smem:$0x3FFD];
	_ =	sdelay $0x3  }
0x96: {  	_ =	strace s2  }
0x97: {  	_ =	strace $0x8FFFFFFF  }
0x98: {  	s18 =	sld [smem:$0x3FDB];
	_ =	sdelay $0x1  }
0x99: {  	s19 =	simm.s32 $_scs_section_size  }
0x9a: {  	s4 =	simm.s32 $_size__tile_overlayer_lowered;
	s5 =	simm.s32 $_tile_overlayer_lowered  }
0x9b: {  	s22 =	simm.s32 $0x1BFF;
	s21 =	sshll.u32 s5, $0x1;
	s2 =	sadd.s32 s19, s18  }
0x9c: {  	s6 =	simm.s32 $0x0;
	s20 =	sshll.u32 s4, $0x1;
	s4 =	sadd.s32 s21, s2  }
0x9d: {  	[timem:s6], [sflag:s22] =	dma.local [hbm:s4], s20  }
0x9e: {  	_ =	swait.ge [sflag:s22], s20  }
0x9f: {  	s3 =	ssub.s32 $0x0, s20;
	[sflag:s22] =	ssyncset.done $0x0  }
0xa0: {  	[sflag:s22] =	ssyncadd.s32 s3;
	_ =	sdelay $0x1  }
0xa1: {  	s23 =	simm.s32 $0x1B8B  }
0xa2: {  	_ =	swait.ge [sflag:s23], $0x1  }
0xa3: {  	[sflag:s23] =	ssyncset.done $0x0  }
0xa4: {  	s25 =	simm.s32 $0x1B8E;
	s24 =	sld [smem:$0x3FFE];
	[sflag:s23] =	ssyncadd.s32 $0xFFFFFFFF  }
0xa5: {  	s26 =	simm.s32 $execute0_lowered;
	[smem:$0x3FD2] =	sst s25  }
0xa6: {  	s4 =	sshll.u32 s26, $0x1;
	_ =	strace $0x80000046;
	[dreg:$0x1] =	wrdreg $0xFFFFFFFF  }
0xa7: {  	s28 =	simm.s32 $_size_execute0_lowered;
	s2 =	sadd.s32 s2, s4;
	[dreg:$0x0] =	wrdreg $0x0  }
0xa8: {  	s4 =	sshll.u32 s28, $0x1;
	[dreg:$0x2] =	wrdreg s2  }
0xa9: {  	[dreg:$0x3] =	wrdreg s4  }
0xaa: {  	[dreg:$0x4] =	wrdreg $0xC0  }
0xab: {  	_ =	task [dreg:s6], $0x5FFFF  }
0xac: {  	[dreg:$0x1] =	wrdreg $0xFFFFFFFF  }
0xad: {  	[dreg:$0x0] =	wrdreg $0x60  }
0xae: {  	[dreg:$0x2] =	wrdreg s24  }
0xaf: {  	[dreg:$0x3] =	wrdreg $0x9  }
0xb0: {  	_ =	task.clear_ibuf [dreg:s6], $0x4FFFF;
	_ =	strace $0x90000046  }
0xb1: {  	s29 =	simm.s32 $0x9;
	_ =	strace $0x80000048  }
0xb2: {  	_ =	swait.ge [sflag:s29], $0x1  }
0xb3: {  	[sflag:s29] =	ssyncadd.s32 $0xFFFFFFFF  }
0xb4: {  	_ =	strace $0x90000048  }
0xb5: {  	_ =	sfence  }
0xb6: {  	s30 =	sld [smem:$0x0];
	_ =	sdelay $0x2  }
0xb7: {  	s31 =	sshll.u32 s1, $0xD;
	s1 =	sshrl.u32 s1, $0x2  }
0xb8: {  	s3 =	sand.u32 $0x4000, s31;
	s1 =	sadd.s32 s1, s30  }
0xb9: {  	s0 =	sor.u32 s3, s0;
	s1 =	sshll.u32 s1, $0x11  }
0xba: {  	s0 =	sor.u32 s1, s0  }
0xbb: {  	s0 =	sadd.s32 $0x8F2B, s0  }
0xbc: {  	[sflag:s0] =	ssyncadd.remote.s32 $0x1  }
0xbd: {  	_ =	sfence.sel $0xFFFF  }
0xbe: {  	[dreg:$0x0] =	wrdreg $0xFFFFFFFF;
	(pc) =	sbr.abs _section_cstart, $3  }
0xbf: {  	[dreg:$0x1] =	wrdreg $0xFFFFFFFF  }
0xc0: {  	_ =	task.clear_ibuf [dreg:s6], $0x2FFFF;
	_ =	strace $0x9FFFFFFF  }
0xc1: {  	(tm) =	ssettm $0x7FFFFFFF  }
tec
execute0_lowered:
.L_overlay_start_1:
0x0: {  	(tag) =	ssettag $0x1  }
0x1: {  	v0 =	vimm.s32 $0x0;
	vm2 =	vcmask $0x704  }
0x2: {  	vm3 =	vcmask $0xB08;
	vm4 =	vcmask $0xF0C;
	vm1 =	vcmask $0x1310  }
0x3: {  	vm0 =	vcmask $0x1714;
	v1 =	vimm.s32 $0x1;
	v2 =	vimm.s32 $0x2  }
0x4: {  	s1 =	rddreg [dreg:$0x0];
	vm5 =	vcmask $0x1B18;
	v0 =	vsel vm2, $0x80, v0;
	v1 =	vsel vm2, $0x81, v1  }
0x5: {  	s0 =	rddreg [dreg:$0x1];
	s3 =	simm.s32 $0x0;
	s4 =	srdreg.scid;
	v2 =	vsel vm2, $0x82, v2;
	vm2 =	vcmask $0x1F1C;
	v0 =	vsel vm3, $0x100, v0  }
0x6: {  	s2 =	stileid.u32;
	s10 =	simm.s32 $0x10000;
	s11 =	simm.s32 $0x3;
	v1 =	vsel vm3, $0x101, v1;
	v2 =	vsel vm3, $0x102, v2;
	v0 =	vsel vm4, $0x180, v0  }
0x7: {  	s12 =	simm.s32 $0x1;
	s13 =	simm.s32 $0x8000;
	s14 =	simm.s32 $0x10800;
	v1 =	vsel vm4, $0x181, v1;
	v2 =	vsel vm4, $0x182, v2;
	v0 =	vsel vm1, $0x200, v0  }
0x8: {  	s15 =	simm.s32 $0x10880;
	s16 =	simm.s32 $0x2;
	s17 =	simm.s32 $0x0;
	v1 =	vsel vm1, $0x201, v1;
	v2 =	vsel vm1, $0x202, v2;
	vm1 =	vcmask $0x2320  }
0x9: {  	[smem:$0x7FF] =	sst s3;
	s4 =	sand.u32 $0x1, s4;
	s5 =	sshll.u32 s2, $0x1;
	v0 =	vsel vm0, $0x280, v0;
	v1 =	vsel vm0, $0x281, v1;
	v2 =	vsel vm0, $0x282, v2  }
0xa: {  	_ =	strace $0x80000047;
	s5 =	sor.u32 s4, s5;
	s4 =	ssub.s32 $0x2, s4;
	vm0 =	vcmask $0x2724;
	v0 =	vsel vm5, $0x300, v0;
	v1 =	vsel vm5, $0x301, v1  }
0xb: {  	s6 =	sshll.u32 s5, $0xE;
	s5 =	sshll.u32 s5, $0x4;
	s31 =	sshrl.u32 s4, $0x1;
	v2 =	vsel vm5, $0x302, v2;
	v0 =	vsel vm2, $0x380, v0;
	v1 =	vsel vm2, $0x381, v1  }
0xc: {  	s7 =	sadd.s32 s6, s1;
	s8 =	sadd.s32 s5, s1;
	s9 =	ssub.s32 s4, s31;
	v2 =	vsel vm2, $0x382, v2;
	v0 =	vsel vm1, $0x400, v0;
	v1 =	vsel vm1, $0x401, v1  }
0xd: {  	s4 =	sadd.s32 $0x200, s7;
	s5 =	sadd.s32 $0x1200, s7;
	s6 =	sadd.s32 $0x2200, s7;
	v2 =	vsel vm1, $0x402, v2;
	vm1 =	vmmov $0xff;
	v0 =	vsel vm0, $0x480, v0  }
0xe: {  	s7 =	sadd.s32 $0x3200, s7;
	s8 =	sadd.s32 $0x80200, s8;
	s9 =	smax.u32 s9, $0x1;
	v1 =	vsel vm0, $0x481, v1;
	v2 =	vsel vm0, $0x482, v2;
	vm0 =	vmmov $0x3ff  }
.LBB2_1:
0xf: {  	[tilespmem:s10], [sflag:$0x3] =	stream.linear.gather [hbm4b:s1+s3], $0x500, $0x38;
	[tilespmem:$0x10900] =	vst v63  }
0x10: {  	_ =	swait.ge [sflag:s11], $0x500  }
0x11: {  	[sflag:s11] =	ssyncset.done $0x0  }
0x12: {  	[sflag:s11] =	ssyncadd.s32 $0xFFFFFB00  }
0x13: {  	v3 =	vld.idx.msk [tilespmem:v0+s10+$0x0], $0xffff;
	_ =	sdelay $0x1  }
0x14: {  	v4 =	vld.idx.msk [tilespmem:v1+s10+$0x0], $0xffff;
	_ =	sdelay $0x1  }
0x15: {  	v5 =	vld.idx.msk [tilespmem:v2+s10+$0x0], $0xffff  }
0x16: {  	v3 =	vadd.f32 $0.0e+00, v3;
	_ =	sdelay $0x1  }
0x17: {  	v3 =	vadd.f32 v4, v3;
	_ =	sdelay $0x1  }
0x18: {  	v3 =	vadd.f32 v5, v3;
	_ =	sdelay $0x1  }
0x19: {  	v4 =	vbroadcast v3, $0x0  }
0x1a: {  	v5 =	vnsel vm0, $0x0, v3;
	v6 =	vbroadcast v3, $0x1  }
0x1b: {  	v7 =	vbroadcast v3, $0x2;
	v4 =	vadd.f32 v4, v5  }
0x1c: {  	v8 =	vbroadcast v3, $0x3;
	[tilespmem:$0x10880] =	vst v5;
	v6 =	vadd.f32 v6, v5  }
0x1d: {  	[tilespmem:$0x10800] =	vst v4;
	v4 =	vadd.f32 v7, v5;
	v7 =	vbroadcast v3, $0x4  }
0x1e: {  	[tilespmem:$0x1080B] =	vst v6;
	v6 =	vadd.f32 v8, v5;
	v8 =	vbroadcast v3, $0x5  }
0x1f: {  	[tilespmem:$0x10816] =	vst v4;
	v4 =	vadd.f32 v7, v5;
	v7 =	vbroadcast v3, $0x6  }
0x20: {  	[tilespmem:$0x10821] =	vst v6;
	v6 =	vadd.f32 v8, v5;
	v8 =	vbroadcast v3, $0x7  }
0x21: {  	[tilespmem:$0x1082C] =	vst v4;
	v4 =	vadd.f32 v7, v5;
	v7 =	vbroadcast v3, $0x8  }
0x22: {  	v3 =	vbroadcast v3, $0x9;
	[tilespmem:$0x10837] =	vst v6;
	v6 =	vadd.f32 v8, v5  }
0x23: {  	[tilespmem:$0x10842] =	vst v4;
	v4 =	vadd.f32 v7, v5  }
0x24: {  	v3 =	vadd.f32 v3, v5;
	[tilespmem:$0x1084D] =	vst v6  }
0x25: {  	[tilespmem:$0x10858] =	vst v4  }
0x26: {  	[tilespmem:$0x10863] =	vst v3  }
0x27: {  	[tilespmem:$0x1086E] =	vst v5  }
0x28: {  	[tilespmem:s3], [sflag:$0x1] =	stream.linear.gather [hbm4b:s4+s3], $0x8000, $0x38;
	[tilespmem:$0x10900] =	vst v63  }
0x29: {  	_ =	swait.ge [sflag:s12], $0x8000  }
0x2a: {  	s18 =	sand.u32 $0x7800, s3;
	s19 =	sand.u32 $0x300, s3;
	[sflag:s12] =	ssyncset.done $0x0  }
0x2b: {  	s20 =	sor.u32 s19, s18;
	[sflag:s12] =	ssyncadd.s32 $0xFFFF8000  }
0x2c: {  	[tilespmem:s13], [sflag:$0x2] =	stream.linear.gather [hbm4b:s5+s3], $0x8000, $0x38;
	[tilespmem:$0x10900] =	vst v63  }
0x2d: {  	v14 =	vld [tilespmem:s20+$0xC0]  }
0x2e: {  	v5 =	vld [tilespmem:s20+$0xE0]  }
0x2f: {  	v6 =	vld [tilespmem:s20+$0x480]  }
0x30: {  	v18 =	vld [tilespmem:s20+$0x4B8]  }
0x31: {  	v16 =	vld [tilespmem:s20+$0x40]  }
0x32: {  	v13 =	vld [tilespmem:s20+$0x60]  }
0x33: {  	v9 =	vld [tilespmem:s20+$0x80]  }
0x34: {  	v21 =	vld [tilespmem:s20+$0xD0]  }
0x35: {  	v12 =	vld [tilespmem:s20+$0xF0]  }
0x36: {  	v10 =	vld [tilespmem:s20+$0x490]  }
0x37: {  	v11 =	vld [tilespmem:s20+$0x4A0]  }
0x38: {  	v23 =	vld [tilespmem:s20+$0x50]  }
0x39: {  	v17 =	vld [tilespmem:s20+$0x70]  }
0x3a: {  	v24 =	vld [tilespmem:s20+$0x438]  }
0x3b: {  	v15 =	vld [tilespmem:s20+$0x90]  }
0x3c: {  	v19 =	vld [tilespmem:s20+$0x400]  }
0x3d: {  	v8 =	vimm.f32 $0.0e+00;
	v22 =	vld [tilespmem:s20+$0x0]  }
0x3e: {  	s18 =	simm.s32 $0x100;
	s19 =	simm.s32 $0x0;
	v7 =	vimm.f32 $0.0e+00;
	v4 =	vimm.f32 $0.0e+00;
	v3 =	vimm.f32 $0.0e+00;
	v20 =	vld [tilespmem:s20+$0x20]  }
.LBB2_2:
0x3f: {  	p0 =	sne.s32 s18, $0x3F00;
	v25 =	vld [tilespmem:s20+$0x10]  }
0x40: {  	v26 =	vld [tilespmem:s20+$0x30]  }
0x41: {  	v27 =	vld [tilespmem:s20+$0x410]  }
0x42: {  	v21 =	vmul.u32 $0xB, v21;
	v18 =	vsel vm1, $0xA, v18;
	v28 =	vld [tilespmem:s20+$0x430]  }
0x43: {  	v23 =	vmul.u32 $0xB, v23;
	v24 =	vsel vm1, $0xA, v24;
	v29 =	vld [tilespmem:s20+$0x420]  }
0x44: {  	v14 =	vadd.s32 v14, v21;
	v25 =	vmul.u32 $0xB, v25;
	v30 =	vld [tilespmem:s20+$0xB0]  }
0x45: {  	v16 =	vadd.s32 v16, v23;
	v21 =	vmul.u32 $0xB, v26;
	v23 =	vld [tilespmem:s20+$0xA0]  }
0x46: {  	v22 =	vadd.s32 v22, v25;
	v25 =	vmul.u32 $0xB, v27;
	v26 =	vld [tilespmem:s20+$0x4B0]  }
0x47: {  	v20 =	vadd.s32 v20, v21;
	v21 =	vmul.u32 $0xB, v28;
	v27 =	vld.idx.msk [tilespmem:v18+s15+$0x0], $0xffff  }
0x48: {  	v17 =	vmul.u32 $0xB, v17;
	v18 =	vadd.s32 v19, v25;
	v19 =	vld.idx.msk [tilespmem:v24+s15+$0x0], $0xffff  }
0x49: {  	v21 =	vadd.s32 v29, v21;
	v24 =	vmul.u32 $0xB, v30;
	v25 =	vld.idx.msk [tilespmem:v14+s14+$0x0], $0xffff  }
0x4a: {  	v13 =	vadd.s32 v13, v17;
	v14 =	vmul.u32 $0xB, v15;
	v16 =	vld.idx.msk [tilespmem:v16+s14+$0x0], $0xffff  }
0x4b: {  	v15 =	vld.idx.msk [tilespmem:v22+s14+$0x0], $0xffff;
	v17 =	vadd.s32 v23, v24;
	v22 =	vmul.u32 $0xB, v26  }
0x4c: {  	v12 =	vmul.u32 $0xB, v12;
	v9 =	vadd.s32 v9, v14;
	v20 =	vld.idx.msk [tilespmem:v20+s14+$0x0], $0xffff  }
0x4d: {  	v10 =	vmul.u32 $0xB, v10;
	v14 =	vld.idx.msk [tilespmem:v18+s14+$0x0], $0xffff;
	v11 =	vadd.s32 v11, v22  }
0x4e: {  	v5 =	vadd.s32 v5, v12;
	v18 =	vld.idx.msk [tilespmem:v21+s14+$0x0], $0xffff  }
0x4f: {  	v6 =	vadd.s32 v6, v10;
	v12 =	vld.idx.msk [tilespmem:v13+s14+$0x0], $0xffff  }
0x50: {  	v10 =	vld.idx.msk [tilespmem:v17+s14+$0x0], $0xffff  }
0x51: {  	v9 =	vld.idx.msk [tilespmem:v9+s14+$0x0], $0xffff  }
0x52: {  	s19 =	sadd.s32 $0x200, s19;
	v7 =	vadd.f32 v15, v7;
	v8 =	vadd.f32 v20, v8;
	v11 =	vld.idx.msk [tilespmem:v11+s14+$0x0], $0xffff  }
0x53: {  	s21 =	sand.u32 $0x300, s18;
	s20 =	sand.u32 $0x7800, s19;
	v13 =	vld.idx.msk [tilespmem:v5+s14+$0x0], $0xffff  }
0x54: {  	s20 =	sor.u32 s21, s20;
	v7 =	vadd.f32 v14, v7;
	v8 =	vadd.f32 v18, v8;
	v15 =	vld.idx.msk [tilespmem:v6+s14+$0x0], $0xffff  }
0x55: {  	v14 =	vld [tilespmem:s20+$0xC0]  }
0x56: {  	v7 =	vadd.f32 v19, v7;
	v8 =	vadd.f32 v10, v8;
	v5 =	vld [tilespmem:s20+$0xE0]  }
0x57: {  	v3 =	vadd.f32 v16, v3;
	v4 =	vadd.f32 v12, v4;
	v6 =	vld [tilespmem:s20+$0x480]  }
0x58: {  	v7 =	vadd.f32 v9, v7;
	v8 =	vadd.f32 v11, v8;
	v18 =	vld [tilespmem:s20+$0x4B8]  }
0x59: {  	v3 =	vadd.f32 v25, v3;
	v4 =	vadd.f32 v13, v4;
	v16 =	vld [tilespmem:s20+$0x40]  }
0x5a: {  	v7 =	vadd.f32 v15, v7;
	v8 =	vadd.f32 v27, v8;
	v13 =	vld [tilespmem:s20+$0x60]  }
0x5b: {  	v9 =	vld [tilespmem:s20+$0x80]  }
0x5c: {  	v21 =	vld [tilespmem:s20+$0xD0]  }
0x5d: {  	v12 =	vld [tilespmem:s20+$0xF0]  }
0x5e: {  	v10 =	vld [tilespmem:s20+$0x490]  }
0x5f: {  	v11 =	vld [tilespmem:s20+$0x4A0]  }
0x60: {  	v23 =	vld [tilespmem:s20+$0x50]  }
0x61: {  	v17 =	vld [tilespmem:s20+$0x70]  }
.Ltmp0:
0x62: {  	v24 =	vld [tilespmem:s20+$0x438];
	(pc) =	sbr.rel @p0 .LBB2_2-.Ltmp0, $4  }
0x63: {  	v15 =	vld [tilespmem:s20+$0x90]  }
0x64: {  	v19 =	vld [tilespmem:s20+$0x400]  }
0x65: {  	v22 =	vld [tilespmem:s20+$0x0]  }
0x66: {  	s18 =	sadd.s32 $0x100, s18;
	v20 =	vld [tilespmem:s20+$0x20]  }
0x67: {  	v25 =	vld [tilespmem:s20+$0x10]  }
0x68: {  	v26 =	vld [tilespmem:s20+$0x30]  }
0x69: {  	v27 =	vld [tilespmem:s20+$0x410];
	v23 =	vmul.u32 $0xB, v23  }
0x6a: {  	v28 =	vld [tilespmem:s20+$0x430];
	v18 =	vsel vm1, $0xA, v18;
	v12 =	vmul.u32 $0xB, v12  }
0x6b: {  	v29 =	vld [tilespmem:s20+$0x420];
	v10 =	vmul.u32 $0xB, v10;
	v16 =	vadd.s32 v16, v23  }
0x6c: {  	v21 =	vmul.u32 $0xB, v21;
	v30 =	vld [tilespmem:s20+$0xB0];
	v5 =	vadd.s32 v5, v12  }
0x6d: {  	v23 =	vld [tilespmem:s20+$0xA0];
	v6 =	vadd.s32 v6, v10;
	v25 =	vmul.u32 $0xB, v25  }
0x6e: {  	v24 =	vsel vm1, $0xA, v24;
	v14 =	vadd.s32 v14, v21;
	v21 =	vmul.u32 $0xB, v26;
	v26 =	vld [tilespmem:s20+$0x4B0]  }
0x6f: {  	v22 =	vadd.s32 v22, v25;
	v25 =	vmul.u32 $0xB, v27;
	v27 =	vld.idx.msk [tilespmem:v18+s15+$0x0], $0xffff  }
0x70: {  	v16 =	vld.idx.msk [tilespmem:v16+s14+$0x0], $0xffff  }
0x71: {  	v20 =	vadd.s32 v20, v21;
	v21 =	vmul.u32 $0xB, v28;
	v63 =	vld.idx.msk [tilespmem:v5+s14+$0x0], $0xffff  }
0x72: {  	v17 =	vmul.u32 $0xB, v17;
	v31 =	vld.idx.msk [tilespmem:v6+s14+$0x0], $0xffff;
	v18 =	vadd.s32 v19, v25  }
0x73: {  	v19 =	vld.idx.msk [tilespmem:v24+s15+$0x0], $0xffff;
	v21 =	vadd.s32 v29, v21;
	v24 =	vmul.u32 $0xB, v30  }
0x74: {  	v13 =	vadd.s32 v13, v17;
	v25 =	vld.idx.msk [tilespmem:v14+s14+$0x0], $0xffff;
	v14 =	vmul.u32 $0xB, v15  }
0x75: {  	v15 =	vadd.s32 v23, v24;
	v17 =	vld.idx.msk [tilespmem:v22+s14+$0x0], $0xffff;
	v22 =	vmul.u32 $0xB, v26  }
0x76: {  	v9 =	vadd.s32 v9, v14;
	v23 =	vld.idx.msk [tilespmem:v20+s14+$0x0], $0xffff  }
0x77: {  	v24 =	vld.idx.msk [tilespmem:v18+s14+$0x0], $0xffff;
	v11 =	vadd.s32 v11, v22  }
0x78: {  	v21 =	vld.idx.msk [tilespmem:v21+s14+$0x0], $0xffff  }
0x79: {  	v22 =	vld.idx.msk [tilespmem:v13+s14+$0x0], $0xffff  }
0x7a: {  	v26 =	vld.idx.msk [tilespmem:v15+s14+$0x0], $0xffff  }
0x7b: {  	v61 =	vld.idx.msk [tilespmem:v9+s14+$0x0], $0xffff  }
0x7c: {  	s18 =	simm.s32 $0x0;
	v62 =	vld.idx.msk [tilespmem:v11+s14+$0x0], $0xffff;
	_ =	swait.ge [sflag:s16], $0x8000  }
0x7d: {  	s19 =	sand.u32 $0x7800, s18;
	s31 =	sand.u32 $0x300, s18;
	[sflag:s16] =	ssyncset.done $0x0  }
0x7e: {  	s19 =	sor.u32 s31, s19;
	[sflag:s16] =	ssyncadd.s32 $0xFFFF8000  }
0x7f: {  	[tilespmem:s18], [sflag:$0x1] =	stream.linear.gather [hbm4b:s6+s18], $0x8000, $0x38;
	[tilespmem:$0x10900] =	vst v63  }
0x80: {  	v14 =	vld [tilespmem:s19+$0x80C0]  }
0x81: {  	v5 =	vld [tilespmem:s19+$0x80E0]  }
0x82: {  	v6 =	vld [tilespmem:s19+$0x8480]  }
0x83: {  	v18 =	vld [tilespmem:s19+$0x84B8]  }
0x84: {  	v15 =	vld [tilespmem:s19+$0x8040]  }
0x85: {  	v13 =	vld [tilespmem:s19+$0x8060]  }
0x86: {  	v9 =	vld [tilespmem:s19+$0x8080]  }
0x87: {  	v20 =	vld [tilespmem:s19+$0x80D0]  }
0x88: {  	v10 =	vld [tilespmem:s19+$0x80F0]  }
0x89: {  	v7 =	vadd.f32 v17, v7;
	v8 =	vadd.f32 v23, v8;
	v11 =	vld [tilespmem:s19+$0x8490]  }
0x8a: {  	v12 =	vld [tilespmem:s19+$0x84A0]  }
0x8b: {  	v7 =	vadd.f32 v24, v7;
	v8 =	vadd.f32 v21, v8;
	v21 =	vld [tilespmem:s19+$0x8050]  }
0x8c: {  	v17 =	vld [tilespmem:s19+$0x8070]  }
0x8d: {  	v7 =	vadd.f32 v19, v7;
	v8 =	vadd.f32 v26, v8;
	v24 =	vld [tilespmem:s19+$0x8438]  }
0x8e: {  	v3 =	vadd.f32 v16, v3;
	v4 =	vadd.f32 v22, v4;
	v16 =	vld [tilespmem:s19+$0x8090]  }
0x8f: {  	v7 =	vadd.f32 v61, v7;
	v19 =	vld [tilespmem:s19+$0x8400];
	v8 =	vadd.f32 v62, v8  }
0x90: {  	v3 =	vadd.f32 v25, v3;
	v4 =	vadd.f32 v63, v4;
	v23 =	vld [tilespmem:s19+$0x8000]  }
0x91: {  	s20 =	simm.s32 $0x100;
	v22 =	vld [tilespmem:s19+$0x8020];
	v7 =	vadd.f32 v31, v7;
	v8 =	vadd.f32 v27, v8  }
.LBB2_4:
0x92: {  	p0 =	sne.s32 s20, $0x3F00;
	v25 =	vld [tilespmem:s19+$0x8010]  }
0x93: {  	v26 =	vld [tilespmem:s19+$0x8030]  }
0x94: {  	v27 =	vld [tilespmem:s19+$0x8410]  }
0x95: {  	v20 =	vmul.u32 $0xB, v20;
	v18 =	vsel vm1, $0xA, v18;
	v28 =	vld [tilespmem:s19+$0x8430]  }
0x96: {  	v21 =	vmul.u32 $0xB, v21;
	v24 =	vsel vm1, $0xA, v24;
	v29 =	vld [tilespmem:s19+$0x8420]  }
0x97: {  	v14 =	vadd.s32 v14, v20;
	v25 =	vmul.u32 $0xB, v25;
	v30 =	vld [tilespmem:s19+$0x80B0]  }
0x98: {  	v15 =	vadd.s32 v15, v21;
	v20 =	vmul.u32 $0xB, v26;
	v21 =	vld [tilespmem:s19+$0x80A0]  }
0x99: {  	v23 =	vadd.s32 v23, v25;
	v25 =	vmul.u32 $0xB, v27;
	v26 =	vld [tilespmem:s19+$0x84B0]  }
0x9a: {  	v20 =	vadd.s32 v22, v20;
	v22 =	vmul.u32 $0xB, v28;
	v27 =	vld.idx.msk [tilespmem:v18+s15+$0x0], $0xffff  }
0x9b: {  	v17 =	vmul.u32 $0xB, v17;
	v18 =	vadd.s32 v19, v25;
	v19 =	vld.idx.msk [tilespmem:v24+s15+$0x0], $0xffff  }
0x9c: {  	v22 =	vadd.s32 v29, v22;
	v24 =	vmul.u32 $0xB, v30;
	v25 =	vld.idx.msk [tilespmem:v14+s14+$0x0], $0xffff  }
0x9d: {  	v13 =	vadd.s32 v13, v17;
	v14 =	vmul.u32 $0xB, v16;
	v15 =	vld.idx.msk [tilespmem:v15+s14+$0x0], $0xffff  }
0x9e: {  	v16 =	vld.idx.msk [tilespmem:v23+s14+$0x0], $0xffff;
	v17 =	vadd.s32 v21, v24;
	v21 =	vmul.u32 $0xB, v26  }
0x9f: {  	v10 =	vmul.u32 $0xB, v10;
	v9 =	vadd.s32 v9, v14;
	v20 =	vld.idx.msk [tilespmem:v20+s14+$0x0], $0xffff  }
0xa0: {  	v11 =	vmul.u32 $0xB, v11;
	v14 =	vld.idx.msk [tilespmem:v18+s14+$0x0], $0xffff;
	v12 =	vadd.s32 v12, v21  }
0xa1: {  	v5 =	vadd.s32 v5, v10;
	v18 =	vld.idx.msk [tilespmem:v22+s14+$0x0], $0xffff  }
0xa2: {  	v6 =	vadd.s32 v6, v11;
	v10 =	vld.idx.msk [tilespmem:v13+s14+$0x0], $0xffff  }
0xa3: {  	v11 =	vld.idx.msk [tilespmem:v17+s14+$0x0], $0xffff  }
0xa4: {  	v9 =	vld.idx.msk [tilespmem:v9+s14+$0x0], $0xffff  }
0xa5: {  	s18 =	sadd.s32 $0x200, s18;
	v7 =	vadd.f32 v16, v7;
	v8 =	vadd.f32 v20, v8;
	v12 =	vld.idx.msk [tilespmem:v12+s14+$0x0], $0xffff  }
0xa6: {  	s21 =	sand.u32 $0x300, s20;
	s19 =	sand.u32 $0x7800, s18;
	v13 =	vld.idx.msk [tilespmem:v5+s14+$0x0], $0xffff  }
0xa7: {  	s19 =	sor.u32 s21, s19;
	v7 =	vadd.f32 v14, v7;
	v8 =	vadd.f32 v18, v8;
	v16 =	vld.idx.msk [tilespmem:v6+s14+$0x0], $0xffff  }
0xa8: {  	v14 =	vld [tilespmem:s19+$0x80C0]  }
0xa9: {  	v7 =	vadd.f32 v19, v7;
	v8 =	vadd.f32 v11, v8;
	v5 =	vld [tilespmem:s19+$0x80E0]  }
0xaa: {  	v3 =	vadd.f32 v15, v3;
	v4 =	vadd.f32 v10, v4;
	v6 =	vld [tilespmem:s19+$0x8480]  }
0xab: {  	v7 =	vadd.f32 v9, v7;
	v8 =	vadd.f32 v12, v8;
	v18 =	vld [tilespmem:s19+$0x84B8]  }
0xac: {  	v3 =	vadd.f32 v25, v3;
	v4 =	vadd.f32 v13, v4;
	v15 =	vld [tilespmem:s19+$0x8040]  }
0xad: {  	v7 =	vadd.f32 v16, v7;
	v8 =	vadd.f32 v27, v8;
	v13 =	vld [tilespmem:s19+$0x8060]  }
0xae: {  	v9 =	vld [tilespmem:s19+$0x8080]  }
0xaf: {  	v20 =	vld [tilespmem:s19+$0x80D0]  }
0xb0: {  	v10 =	vld [tilespmem:s19+$0x80F0]  }
0xb1: {  	v11 =	vld [tilespmem:s19+$0x8490]  }
0xb2: {  	v12 =	vld [tilespmem:s19+$0x84A0]  }
0xb3: {  	v21 =	vld [tilespmem:s19+$0x8050]  }
0xb4: {  	v17 =	vld [tilespmem:s19+$0x8070]  }
.Ltmp1:
0xb5: {  	v24 =	vld [tilespmem:s19+$0x8438];
	(pc) =	sbr.rel @p0 .LBB2_4-.Ltmp1, $4  }
0xb6: {  	v16 =	vld [tilespmem:s19+$0x8090]  }
0xb7: {  	v19 =	vld [tilespmem:s19+$0x8400]  }
0xb8: {  	v23 =	vld [tilespmem:s19+$0x8000]  }
0xb9: {  	s20 =	sadd.s32 $0x100, s20;
	v22 =	vld [tilespmem:s19+$0x8020]  }
0xba: {  	v25 =	vld [tilespmem:s19+$0x8010]  }
0xbb: {  	v26 =	vld [tilespmem:s19+$0x8030]  }
0xbc: {  	v27 =	vld [tilespmem:s19+$0x8410];
	v21 =	vmul.u32 $0xB, v21  }
0xbd: {  	v28 =	vld [tilespmem:s19+$0x8430];
	v18 =	vsel vm1, $0xA, v18;
	v10 =	vmul.u32 $0xB, v10  }
0xbe: {  	v29 =	vld [tilespmem:s19+$0x8420];
	v11 =	vmul.u32 $0xB, v11;
	v15 =	vadd.s32 v15, v21  }
0xbf: {  	v20 =	vmul.u32 $0xB, v20;
	v30 =	vld [tilespmem:s19+$0x80B0];
	v5 =	vadd.s32 v5, v10  }
0xc0: {  	v21 =	vld [tilespmem:s19+$0x80A0];
	v6 =	vadd.s32 v6, v11;
	v25 =	vmul.u32 $0xB, v25  }
0xc1: {  	v24 =	vsel vm1, $0xA, v24;
	v14 =	vadd.s32 v14, v20;
	v20 =	vmul.u32 $0xB, v26;
	v26 =	vld [tilespmem:s19+$0x84B0]  }
0xc2: {  	v23 =	vadd.s32 v23, v25;
	v25 =	vmul.u32 $0xB, v27;
	v27 =	vld.idx.msk [tilespmem:v18+s15+$0x0], $0xffff  }
0xc3: {  	v61 =	vld.idx.msk [tilespmem:v15+s14+$0x0], $0xffff  }
0xc4: {  	v20 =	vadd.s32 v22, v20;
	v22 =	vmul.u32 $0xB, v28;
	v63 =	vld.idx.msk [tilespmem:v5+s14+$0x0], $0xffff  }
0xc5: {  	v17 =	vmul.u32 $0xB, v17;
	v31 =	vld.idx.msk [tilespmem:v6+s14+$0x0], $0xffff;
	v18 =	vadd.s32 v19, v25  }
0xc6: {  	v19 =	vld.idx.msk [tilespmem:v24+s15+$0x0], $0xffff;
	v22 =	vadd.s32 v29, v22;
	v24 =	vmul.u32 $0xB, v30  }
0xc7: {  	v13 =	vadd.s32 v13, v17;
	v25 =	vld.idx.msk [tilespmem:v14+s14+$0x0], $0xffff;
	v14 =	vmul.u32 $0xB, v16  }
0xc8: {  	v17 =	vmul.u32 $0xB, v26;
	v15 =	vadd.s32 v21, v24;
	v16 =	vld.idx.msk [tilespmem:v23+s14+$0x0], $0xffff  }
0xc9: {  	v9 =	vadd.s32 v9, v14;
	v21 =	vld.idx.msk [tilespmem:v20+s14+$0x0], $0xffff  }
0xca: {  	v12 =	vadd.s32 v12, v17;
	v23 =	vld.idx.msk [tilespmem:v18+s14+$0x0], $0xffff  }
0xcb: {  	v17 =	vld.idx.msk [tilespmem:v22+s14+$0x0], $0xffff  }
0xcc: {  	v22 =	vld.idx.msk [tilespmem:v13+s14+$0x0], $0xffff  }
0xcd: {  	v24 =	vld.idx.msk [tilespmem:v15+s14+$0x0], $0xffff  }
0xce: {  	v26 =	vld.idx.msk [tilespmem:v9+s14+$0x0], $0xffff  }
0xcf: {  	s18 =	simm.s32 $0x0;
	v62 =	vld.idx.msk [tilespmem:v12+s14+$0x0], $0xffff;
	_ =	swait.ge [sflag:s12], $0x8000  }
0xd0: {  	s31 =	sand.u32 $0x7800, s18;
	s20 =	sand.u32 $0x300, s18;
	[sflag:s12] =	ssyncset.done $0x0  }
0xd1: {  	s19 =	sor.u32 s20, s31;
	[sflag:s12] =	ssyncadd.s32 $0xFFFF8000  }
0xd2: {  	[tilespmem:s13], [sflag:$0x2] =	stream.linear.gather [hbm4b:s7+s18], $0x8000, $0x38;
	[tilespmem:$0x10900] =	vst v63  }
0xd3: {  	v14 =	vld [tilespmem:s19+$0xC0]  }
0xd4: {  	v5 =	vld [tilespmem:s19+$0xE0]  }
0xd5: {  	v6 =	vld [tilespmem:s19+$0x480]  }
0xd6: {  	v18 =	vld [tilespmem:s19+$0x4B8]  }
0xd7: {  	v15 =	vld [tilespmem:s19+$0x40]  }
0xd8: {  	v13 =	vld [tilespmem:s19+$0x60]  }
0xd9: {  	v9 =	vld [tilespmem:s19+$0x80]  }
0xda: {  	v20 =	vld [tilespmem:s19+$0xD0]  }
0xdb: {  	v10 =	vld [tilespmem:s19+$0xF0]  }
0xdc: {  	v7 =	vadd.f32 v16, v7;
	v8 =	vadd.f32 v21, v8;
	v11 =	vld [tilespmem:s19+$0x490]  }
0xdd: {  	v12 =	vld [tilespmem:s19+$0x4A0]  }
0xde: {  	v7 =	vadd.f32 v23, v7;
	v8 =	vadd.f32 v17, v8;
	v21 =	vld [tilespmem:s19+$0x50]  }
0xdf: {  	v17 =	vld [tilespmem:s19+$0x70]  }
0xe0: {  	v7 =	vadd.f32 v19, v7;
	v8 =	vadd.f32 v24, v8;
	v24 =	vld [tilespmem:s19+$0x438]  }
0xe1: {  	v3 =	vadd.f32 v61, v3;
	v4 =	vadd.f32 v22, v4;
	v16 =	vld [tilespmem:s19+$0x90]  }
0xe2: {  	v19 =	vld [tilespmem:s19+$0x400];
	v7 =	vadd.f32 v26, v7;
	v8 =	vadd.f32 v62, v8  }
0xe3: {  	v3 =	vadd.f32 v25, v3;
	v4 =	vadd.f32 v63, v4;
	v23 =	vld [tilespmem:s19+$0x0]  }
0xe4: {  	s20 =	simm.s32 $0x100;
	v22 =	vld [tilespmem:s19+$0x20];
	v7 =	vadd.f32 v31, v7;
	v8 =	vadd.f32 v27, v8  }
.LBB2_6:
0xe5: {  	p0 =	sne.s32 s20, $0x3F00;
	v25 =	vld [tilespmem:s19+$0x10]  }
0xe6: {  	v26 =	vld [tilespmem:s19+$0x30]  }
0xe7: {  	v27 =	vld [tilespmem:s19+$0x410]  }
0xe8: {  	v20 =	vmul.u32 $0xB, v20;
	v18 =	vsel vm1, $0xA, v18;
	v28 =	vld [tilespmem:s19+$0x430]  }
0xe9: {  	v21 =	vmul.u32 $0xB, v21;
	v24 =	vsel vm1, $0xA, v24;
	v29 =	vld [tilespmem:s19+$0x420]  }
0xea: {  	v14 =	vadd.s32 v14, v20;
	v25 =	vmul.u32 $0xB, v25;
	v30 =	vld [tilespmem:s19+$0xB0]  }
0xeb: {  	v15 =	vadd.s32 v15, v21;
	v20 =	vmul.u32 $0xB, v26;
	v21 =	vld [tilespmem:s19+$0xA0]  }
0xec: {  	v23 =	vadd.s32 v23, v25;
	v25 =	vmul.u32 $0xB, v27;
	v26 =	vld [tilespmem:s19+$0x4B0]  }
0xed: {  	v20 =	vadd.s32 v22, v20;
	v22 =	vmul.u32 $0xB, v28;
	v27 =	vld.idx.msk [tilespmem:v18+s15+$0x0], $0xffff  }
0xee: {  	v17 =	vmul.u32 $0xB, v17;
	v18 =	vadd.s32 v19, v25;
	v19 =	vld.idx.msk [tilespmem:v24+s15+$0x0], $0xffff  }
0xef: {  	v22 =	vadd.s32 v29, v22;
	v24 =	vmul.u32 $0xB, v30;
	v25 =	vld.idx.msk [tilespmem:v14+s14+$0x0], $0xffff  }
0xf0: {  	v13 =	vadd.s32 v13, v17;
	v14 =	vmul.u32 $0xB, v16;
	v15 =	vld.idx.msk [tilespmem:v15+s14+$0x0], $0xffff  }
0xf1: {  	v16 =	vld.idx.msk [tilespmem:v23+s14+$0x0], $0xffff;
	v17 =	vadd.s32 v21, v24;
	v21 =	vmul.u32 $0xB, v26  }
0xf2: {  	v10 =	vmul.u32 $0xB, v10;
	v9 =	vadd.s32 v9, v14;
	v20 =	vld.idx.msk [tilespmem:v20+s14+$0x0], $0xffff  }
0xf3: {  	v11 =	vmul.u32 $0xB, v11;
	v14 =	vld.idx.msk [tilespmem:v18+s14+$0x0], $0xffff;
	v12 =	vadd.s32 v12, v21  }
0xf4: {  	v5 =	vadd.s32 v5, v10;
	v18 =	vld.idx.msk [tilespmem:v22+s14+$0x0], $0xffff  }
0xf5: {  	v6 =	vadd.s32 v6, v11;
	v10 =	vld.idx.msk [tilespmem:v13+s14+$0x0], $0xffff  }
0xf6: {  	v11 =	vld.idx.msk [tilespmem:v17+s14+$0x0], $0xffff  }
0xf7: {  	v9 =	vld.idx.msk [tilespmem:v9+s14+$0x0], $0xffff  }
0xf8: {  	s18 =	sadd.s32 $0x200, s18;
	v7 =	vadd.f32 v16, v7;
	v8 =	vadd.f32 v20, v8;
	v12 =	vld.idx.msk [tilespmem:v12+s14+$0x0], $0xffff  }
0xf9: {  	s21 =	sand.u32 $0x300, s20;
	s19 =	sand.u32 $0x7800, s18;
	v13 =	vld.idx.msk [tilespmem:v5+s14+$0x0], $0xffff  }
0xfa: {  	s19 =	sor.u32 s21, s19;
	v7 =	vadd.f32 v14, v7;
	v8 =	vadd.f32 v18, v8;
	v16 =	vld.idx.msk [tilespmem:v6+s14+$0x0], $0xffff  }
0xfb: {  	v14 =	vld [tilespmem:s19+$0xC0]  }
0xfc: {  	v7 =	vadd.f32 v19, v7;
	v8 =	vadd.f32 v11, v8;
	v5 =	vld [tilespmem:s19+$0xE0]  }
0xfd: {  	v3 =	vadd.f32 v15, v3;
	v4 =	vadd.f32 v10, v4;
	v6 =	vld [tilespmem:s19+$0x480]  }
0xfe: {  	v7 =	vadd.f32 v9, v7;
	v8 =	vadd.f32 v12, v8;
	v18 =	vld [tilespmem:s19+$0x4B8]  }
0xff: {  	v3 =	vadd.f32 v25, v3;
	v4 =	vadd.f32 v13, v4;
	v15 =	vld [tilespmem:s19+$0x40]  }
0x100: {  	v7 =	vadd.f32 v16, v7;
	v8 =	vadd.f32 v27, v8;
	v13 =	vld [tilespmem:s19+$0x60]  }
0x101: {  	v9 =	vld [tilespmem:s19+$0x80]  }
0x102: {  	v20 =	vld [tilespmem:s19+$0xD0]  }
0x103: {  	v10 =	vld [tilespmem:s19+$0xF0]  }
0x104: {  	v11 =	vld [tilespmem:s19+$0x490]  }
0x105: {  	v12 =	vld [tilespmem:s19+$0x4A0]  }
0x106: {  	v21 =	vld [tilespmem:s19+$0x50]  }
0x107: {  	v17 =	vld [tilespmem:s19+$0x70]  }
.Ltmp2:
0x108: {  	v24 =	vld [tilespmem:s19+$0x438];
	(pc) =	sbr.rel @p0 .LBB2_6-.Ltmp2, $4  }
0x109: {  	v16 =	vld [tilespmem:s19+$0x90]  }
0x10a: {  	v19 =	vld [tilespmem:s19+$0x400]  }
0x10b: {  	v23 =	vld [tilespmem:s19+$0x0]  }
0x10c: {  	s20 =	sadd.s32 $0x100, s20;
	v22 =	vld [tilespmem:s19+$0x20]  }
0x10d: {  	v25 =	vld [tilespmem:s19+$0x10]  }
0x10e: {  	v26 =	vld [tilespmem:s19+$0x30]  }
0x10f: {  	v27 =	vld [tilespmem:s19+$0x410];
	v21 =	vmul.u32 $0xB, v21  }
0x110: {  	v28 =	vld [tilespmem:s19+$0x430];
	v18 =	vsel vm1, $0xA, v18;
	v10 =	vmul.u32 $0xB, v10  }
0x111: {  	v29 =	vld [tilespmem:s19+$0x420];
	v11 =	vmul.u32 $0xB, v11;
	v15 =	vadd.s32 v15, v21  }
0x112: {  	v20 =	vmul.u32 $0xB, v20;
	v30 =	vld [tilespmem:s19+$0xB0];
	v5 =	vadd.s32 v5, v10  }
0x113: {  	v21 =	vld [tilespmem:s19+$0xA0];
	v6 =	vadd.s32 v6, v11;
	v25 =	vmul.u32 $0xB, v25  }
0x114: {  	v24 =	vsel vm1, $0xA, v24;
	v14 =	vadd.s32 v14, v20;
	v20 =	vmul.u32 $0xB, v26;
	v26 =	vld [tilespmem:s19+$0x4B0]  }
0x115: {  	v23 =	vadd.s32 v23, v25;
	v25 =	vmul.u32 $0xB, v27;
	v27 =	vld.idx.msk [tilespmem:v18+s15+$0x0], $0xffff  }
0x116: {  	v61 =	vld.idx.msk [tilespmem:v15+s14+$0x0], $0xffff  }
0x117: {  	v20 =	vadd.s32 v22, v20;
	v22 =	vmul.u32 $0xB, v28;
	v63 =	vld.idx.msk [tilespmem:v5+s14+$0x0], $0xffff  }
0x118: {  	v17 =	vmul.u32 $0xB, v17;
	v31 =	vld.idx.msk [tilespmem:v6+s14+$0x0], $0xffff;
	v18 =	vadd.s32 v19, v25  }
0x119: {  	v19 =	vld.idx.msk [tilespmem:v24+s15+$0x0], $0xffff;
	v22 =	vadd.s32 v29, v22;
	v24 =	vmul.u32 $0xB, v30  }
0x11a: {  	v13 =	vadd.s32 v13, v17;
	v25 =	vld.idx.msk [tilespmem:v14+s14+$0x0], $0xffff;
	v14 =	vmul.u32 $0xB, v16  }
0x11b: {  	v17 =	vmul.u32 $0xB, v26;
	v15 =	vadd.s32 v21, v24;
	v16 =	vld.idx.msk [tilespmem:v23+s14+$0x0], $0xffff  }
0x11c: {  	v9 =	vadd.s32 v9, v14;
	v21 =	vld.idx.msk [tilespmem:v20+s14+$0x0], $0xffff  }
0x11d: {  	v12 =	vadd.s32 v12, v17;
	v23 =	vld.idx.msk [tilespmem:v18+s14+$0x0], $0xffff  }
0x11e: {  	v17 =	vld.idx.msk [tilespmem:v22+s14+$0x0], $0xffff  }
0x11f: {  	v22 =	vld.idx.msk [tilespmem:v13+s14+$0x0], $0xffff  }
0x120: {  	v24 =	vld.idx.msk [tilespmem:v15+s14+$0x0], $0xffff  }
0x121: {  	v26 =	vld.idx.msk [tilespmem:v9+s14+$0x0], $0xffff  }
0x122: {  	s18 =	simm.s32 $0x0;
	v62 =	vld.idx.msk [tilespmem:v12+s14+$0x0], $0xffff;
	_ =	swait.ge [sflag:s16], $0x8000  }
0x123: {  	s31 =	sand.u32 $0x7800, s18;
	s20 =	sand.u32 $0x300, s18;
	[sflag:s16] =	ssyncset.done $0x0  }
0x124: {  	s19 =	sor.u32 s20, s31;
	[sflag:s16] =	ssyncadd.s32 $0xFFFF8000  }
0x125: {  	v14 =	vld [tilespmem:s19+$0x80C0]  }
0x126: {  	v5 =	vld [tilespmem:s19+$0x80E0]  }
0x127: {  	v6 =	vld [tilespmem:s19+$0x8480]  }
0x128: {  	v18 =	vld [tilespmem:s19+$0x84B8]  }
0x129: {  	v15 =	vld [tilespmem:s19+$0x8040]  }
0x12a: {  	v13 =	vld [tilespmem:s19+$0x8060]  }
0x12b: {  	v9 =	vld [tilespmem:s19+$0x8080]  }
0x12c: {  	v20 =	vld [tilespmem:s19+$0x80D0]  }
0x12d: {  	v10 =	vld [tilespmem:s19+$0x80F0]  }
0x12e: {  	v7 =	vadd.f32 v16, v7;
	v8 =	vadd.f32 v21, v8;
	v11 =	vld [tilespmem:s19+$0x8490]  }
0x12f: {  	v12 =	vld [tilespmem:s19+$0x84A0]  }
0x130: {  	v7 =	vadd.f32 v23, v7;
	v8 =	vadd.f32 v17, v8;
	v21 =	vld [tilespmem:s19+$0x8050]  }
0x131: {  	v17 =	vld [tilespmem:s19+$0x8070]  }
0x132: {  	v16 =	vld [tilespmem:s19+$0x8090];
	v7 =	vadd.f32 v19, v7;
	v8 =	vadd.f32 v24, v8  }
0x133: {  	v3 =	vadd.f32 v61, v3;
	v4 =	vadd.f32 v22, v4;
	v23 =	vld [tilespmem:s19+$0x8000]  }
0x134: {  	v22 =	vld [tilespmem:s19+$0x8020];
	v7 =	vadd.f32 v26, v7;
	v8 =	vadd.f32 v62, v8  }
0x135: {  	v3 =	vadd.f32 v25, v3;
	v24 =	vld [tilespmem:s19+$0x8438];
	v4 =	vadd.f32 v63, v4  }
0x136: {  	s20 =	simm.s32 $0x100;
	v19 =	vld [tilespmem:s19+$0x8400];
	v7 =	vadd.f32 v31, v7;
	v8 =	vadd.f32 v27, v8  }
.LBB2_8:
0x137: {  	p0 =	sne.s32 s20, $0x3F00;
	v25 =	vld [tilespmem:s19+$0x8010]  }
0x138: {  	v26 =	vld [tilespmem:s19+$0x8030]  }
0x139: {  	v27 =	vld [tilespmem:s19+$0x8410]  }
0x13a: {  	v20 =	vmul.u32 $0xB, v20;
	v18 =	vsel vm1, $0xA, v18;
	v28 =	vld [tilespmem:s19+$0x8430]  }
0x13b: {  	v21 =	vmul.u32 $0xB, v21;
	v24 =	vsel vm1, $0xA, v24;
	v29 =	vld [tilespmem:s19+$0x8420]  }
0x13c: {  	v14 =	vadd.s32 v14, v20;
	v25 =	vmul.u32 $0xB, v25;
	v30 =	vld [tilespmem:s19+$0x80B0]  }
0x13d: {  	v15 =	vadd.s32 v15, v21;
	v20 =	vmul.u32 $0xB, v26;
	v21 =	vld [tilespmem:s19+$0x80A0]  }
0x13e: {  	v23 =	vadd.s32 v23, v25;
	v25 =	vmul.u32 $0xB, v27;
	v26 =	vld [tilespmem:s19+$0x84B0]  }
0x13f: {  	v20 =	vadd.s32 v22, v20;
	v22 =	vmul.u32 $0xB, v28;
	v27 =	vld.idx.msk [tilespmem:v18+s15+$0x0], $0xffff  }
0x140: {  	v17 =	vmul.u32 $0xB, v17;
	v18 =	vadd.s32 v19, v25;
	v19 =	vld.idx.msk [tilespmem:v24+s15+$0x0], $0xffff  }
0x141: {  	v22 =	vadd.s32 v29, v22;
	v24 =	vmul.u32 $0xB, v30;
	v25 =	vld.idx.msk [tilespmem:v14+s14+$0x0], $0xffff  }
0x142: {  	v13 =	vadd.s32 v13, v17;
	v14 =	vmul.u32 $0xB, v16;
	v15 =	vld.idx.msk [tilespmem:v15+s14+$0x0], $0xffff  }
0x143: {  	v16 =	vld.idx.msk [tilespmem:v23+s14+$0x0], $0xffff;
	v17 =	vadd.s32 v21, v24;
	v21 =	vmul.u32 $0xB, v26  }
0x144: {  	v10 =	vmul.u32 $0xB, v10;
	v9 =	vadd.s32 v9, v14;
	v20 =	vld.idx.msk [tilespmem:v20+s14+$0x0], $0xffff  }
0x145: {  	v11 =	vmul.u32 $0xB, v11;
	v14 =	vld.idx.msk [tilespmem:v18+s14+$0x0], $0xffff;
	v12 =	vadd.s32 v12, v21  }
0x146: {  	v5 =	vadd.s32 v5, v10;
	v18 =	vld.idx.msk [tilespmem:v22+s14+$0x0], $0xffff  }
0x147: {  	v6 =	vadd.s32 v6, v11;
	v10 =	vld.idx.msk [tilespmem:v13+s14+$0x0], $0xffff  }
0x148: {  	v11 =	vld.idx.msk [tilespmem:v17+s14+$0x0], $0xffff  }
0x149: {  	v9 =	vld.idx.msk [tilespmem:v9+s14+$0x0], $0xffff  }
0x14a: {  	s18 =	sadd.s32 $0x200, s18;
	v7 =	vadd.f32 v16, v7;
	v8 =	vadd.f32 v20, v8;
	v12 =	vld.idx.msk [tilespmem:v12+s14+$0x0], $0xffff  }
0x14b: {  	s21 =	sand.u32 $0x300, s20;
	s19 =	sand.u32 $0x7800, s18;
	v13 =	vld.idx.msk [tilespmem:v5+s14+$0x0], $0xffff  }
0x14c: {  	s19 =	sor.u32 s21, s19;
	v7 =	vadd.f32 v14, v7;
	v8 =	vadd.f32 v18, v8;
	v16 =	vld.idx.msk [tilespmem:v6+s14+$0x0], $0xffff  }
0x14d: {  	v14 =	vld [tilespmem:s19+$0x80C0]  }
0x14e: {  	v7 =	vadd.f32 v19, v7;
	v8 =	vadd.f32 v11, v8;
	v5 =	vld [tilespmem:s19+$0x80E0]  }
0x14f: {  	v3 =	vadd.f32 v15, v3;
	v4 =	vadd.f32 v10, v4;
	v6 =	vld [tilespmem:s19+$0x8480]  }
0x150: {  	v7 =	vadd.f32 v9, v7;
	v8 =	vadd.f32 v12, v8;
	v18 =	vld [tilespmem:s19+$0x84B8]  }
0x151: {  	v3 =	vadd.f32 v25, v3;
	v4 =	vadd.f32 v13, v4;
	v15 =	vld [tilespmem:s19+$0x8040]  }
0x152: {  	v7 =	vadd.f32 v16, v7;
	v8 =	vadd.f32 v27, v8;
	v13 =	vld [tilespmem:s19+$0x8060]  }
0x153: {  	v9 =	vld [tilespmem:s19+$0x8080]  }
0x154: {  	v20 =	vld [tilespmem:s19+$0x80D0]  }
0x155: {  	v10 =	vld [tilespmem:s19+$0x80F0]  }
0x156: {  	v11 =	vld [tilespmem:s19+$0x8490]  }
0x157: {  	v12 =	vld [tilespmem:s19+$0x84A0]  }
0x158: {  	v21 =	vld [tilespmem:s19+$0x8050]  }
0x159: {  	v17 =	vld [tilespmem:s19+$0x8070]  }
.Ltmp3:
0x15a: {  	v24 =	vld [tilespmem:s19+$0x8438];
	(pc) =	sbr.rel @p0 .LBB2_8-.Ltmp3, $4  }
0x15b: {  	v16 =	vld [tilespmem:s19+$0x8090]  }
0x15c: {  	v19 =	vld [tilespmem:s19+$0x8400]  }
0x15d: {  	v23 =	vld [tilespmem:s19+$0x8000]  }
0x15e: {  	s20 =	sadd.s32 $0x100, s20;
	v22 =	vld [tilespmem:s19+$0x8020]  }
0x15f: {  	v25 =	vld [tilespmem:s19+$0x8010]  }
0x160: {  	v26 =	vld [tilespmem:s19+$0x8030]  }
0x161: {  	v27 =	vld [tilespmem:s19+$0x8410]  }
0x162: {  	v28 =	vld [tilespmem:s19+$0x8430];
	v20 =	vmul.u32 $0xB, v20;
	v18 =	vsel vm1, $0xA, v18  }
0x163: {  	v21 =	vmul.u32 $0xB, v21;
	v29 =	vld [tilespmem:s19+$0x8420];
	v24 =	vsel vm1, $0xA, v24  }
0x164: {  	v30 =	vld [tilespmem:s19+$0x80B0];
	v14 =	vadd.s32 v14, v20;
	v25 =	vmul.u32 $0xB, v25  }
0x165: {  	v51 =	vld [tilespmem:s19+$0x80A0];
	v15 =	vadd.s32 v15, v21;
	v50 =	vmul.u32 $0xB, v26  }
0x166: {  	v53 =	vld [tilespmem:s19+$0x84B0];
	v52 =	vmul.u32 $0xB, v27;
	v23 =	vadd.s32 v23, v25  }
0x167: {  	v54 =	vmul.u32 $0xB, v28;
	v18 =	vld.idx.msk [tilespmem:v18+s15+$0x0], $0xffff;
	v20 =	vadd.s32 v22, v50  }
0x168: {  	v17 =	vmul.u32 $0xB, v17;
	v24 =	vld.idx.msk [tilespmem:v24+s15+$0x0], $0xffff;
	v19 =	vadd.s32 v19, v52  }
0x169: {  	v55 =	vmul.u32 $0xB, v30;
	v22 =	vadd.s32 v29, v54;
	v14 =	vld.idx.msk [tilespmem:v14+s14+$0x0], $0xffff  }
0x16a: {  	v16 =	vmul.u32 $0xB, v16;
	v13 =	vadd.s32 v13, v17;
	v15 =	vld.idx.msk [tilespmem:v15+s14+$0x0], $0xffff  }
0x16b: {  	v57 =	vmul.u32 $0xB, v53;
	v21 =	vadd.s32 v51, v55;
	v56 =	vld.idx.msk [tilespmem:v23+s14+$0x0], $0xffff  }
0x16c: {  	v10 =	vmul.u32 $0xB, v10;
	v9 =	vadd.s32 v9, v16;
	v20 =	vld.idx.msk [tilespmem:v20+s14+$0x0], $0xffff  }
0x16d: {  	v11 =	vmul.u32 $0xB, v11;
	v12 =	vadd.s32 v12, v57;
	v58 =	vld.idx.msk [tilespmem:v19+s14+$0x0], $0xffff  }
0x16e: {  	v5 =	vadd.s32 v5, v10;
	v59 =	vld.idx.msk [tilespmem:v22+s14+$0x0], $0xffff  }
0x16f: {  	v6 =	vadd.s32 v6, v11;
	v60 =	vld.idx.msk [tilespmem:v13+s14+$0x0], $0xffff  }
0x170: {  	v61 =	vld.idx.msk [tilespmem:v21+s14+$0x0], $0xffff  }
0x171: {  	v9 =	vld.idx.msk [tilespmem:v9+s14+$0x0], $0xffff;
	v7 =	vadd.f32 v56, v7;
	v8 =	vadd.f32 v20, v8  }
0x172: {  	v12 =	vld.idx.msk [tilespmem:v12+s14+$0x0], $0xffff  }
0x173: {  	v5 =	vld.idx.msk [tilespmem:v5+s14+$0x0], $0xffff;
	v7 =	vadd.f32 v58, v7;
	v8 =	vadd.f32 v59, v8  }
0x174: {  	v6 =	vld.idx.msk [tilespmem:v6+s14+$0x0], $0xffff  }
0x175: {  	v7 =	vadd.f32 v24, v7;
	v8 =	vadd.f32 v61, v8  }
0x176: {  	v3 =	vadd.f32 v15, v3;
	v4 =	vadd.f32 v60, v4  }
0x177: {  	v7 =	vadd.f32 v9, v7;
	v8 =	vadd.f32 v12, v8  }
0x178: {  	v3 =	vadd.f32 v14, v3;
	v4 =	vadd.f32 v5, v4  }
0x179: {  	v62 =	vadd.f32 v6, v7;
	v63 =	vadd.f32 v18, v8;
	_ =	sdelay $0x1  }
0x17a: {  	v3 =	vadd.f32 v4, v3;
	v5 =	vadd.f32 v63, v62;
	_ =	sdelay $0x1  }
0x17b: {  	s17 =	sadd.s32 $0x1, s17;
	v3 =	vadd.f32 v3, v5  }
0x17c: {  	p0 =	sne.s32 s17, s9  }
.Ltmp4:
0x17d: {  	[tilespmem:$0x10880] =	vst v3;
	(pc) =	sbr.rel @p0 .LBB2_1-.Ltmp4, $4  }
0x17e: {  	[hbm4b:s8+s3] =	stream.linear.scatter [tilespmem:s15], [sflag:$0x3], $0x80, $0x38;
	[tilespmem:$0x10900] =	vst v63  }
0x17f: {  	_ =	swait.ge [sflag:s11], $0x80  }
0x180: {  	[sflag:s11] =	ssyncset.done $0x0  }
0x181: {  	[sflag:s11] =	ssyncadd.s32 $0xFFFFFF80  }
0x182: {  	_ =	sfence.sel $0x180000  }
0x183: {  	[bflag:$0x0] =	sbarrier.arrive $0xFFFF  }
0x184: {  	p0 =	sne.s32 s2, $0x0;
	_ =	strace $0x90000047  }
0x185: {  	s0 =	sadd.s32 @!p0 $0x100000, s0;
	[bflag:$0x2] =	sbarrier.arrive $0xFFFF  }
0x186: {  	[sflag:s0] =	ssyncadd.tile.s32 @!p0 $0x1;
	_ =	shalt  }
.Lfunc_end2:
_tile_overlayer_lowered:
.L_overlay_start_2:
0x187: {  	(tag) =	ssettag $0x2  }
0x188: {  	s0 =	rddreg [dreg:$0x0];
	s2 =	stileid.u32  }
0x189: {  	s1 =	rddreg [dreg:$0x1];
	p0 =	sne.s32 s2, $0x0  }
0x18a: {  	s3 =	rddreg [dreg:$0x2];
	[bflag:$0x3] =	sbarrier.arrive $0xFFFF;
	s2 =	simm.s32 @!p0 $0x1C03  }
0x18b: {  	[timem:s3], [sflag:s2] =	dma.local @!p0 [hbm:s0], s1  }
0x18c: {  	s0 =	simm.s32 @!p0 $0x3  }
0x18d: {  	_ =	swait.ge @!p0 [sflag:s0], s1  }
0x18e: {  	s1 =	ssub.s32 @!p0 $0x0, s1;
	[sflag:s0] =	ssyncset.done @!p0 $0x0  }
0x18f: {  	[sflag:s0] =	ssyncadd.s32 @!p0 s1  }
0x190: {  	[bflag:$0x3] =	sbarrier.arrive $0xFFFF  }
0x191: {  	_ =	shalt  }

</sc_bundles>
